<compile_context>
chip_gen: v7x
topology: tpu7x:2x2x1
jax: 0.10.2.dev20260603
libtpu: 0.0.44.dev20260713+nightly
codegen_flags: <defaults>
</compile_context>

<pallas_src>
import functools

import jax
import jax.numpy as jnp
from jax import lax
from jax.experimental import pallas as pl
from jax.experimental.pallas import tpu as pltpu
from jax.experimental.pallas import tpu_sc as plsc

K = 16
BIG = 1 << 30



def _topk_rows(s, row0, P):
    H = s.shape[0]
    iota_p = lax.broadcasted_iota(jnp.int32, (H, P), 1)
    vals = s
    cols = []
    for _ in range(K):
        m = jnp.max(vals, axis=1, keepdims=True)
        idx = jnp.min(jnp.where(vals == m, iota_p, BIG), axis=1, keepdims=True)
        cols.append(idx)
        vals = jnp.where(iota_p == idx, -1.0, vals)
    patch_idx = jnp.concatenate(cols, axis=1)
    row_k = row0 + lax.broadcasted_iota(jnp.int32, (H, K), 0)
    return row_k * P + patch_idx


def _norms_topk_body(pt_ref, idx_ref, s_ref, *, blk, N, P):
    i = pl.program_id(0)
    pt = pt_ref[...]
    s_ref[pl.ds(i * blk, blk), :] = jnp.sum(pt * pt, axis=-1)

    @pl.when(i == (N // blk) - 1)
    def _():
        idx_ref[...] = _topk_rows(s_ref[...], 0, P)


def _topk_indices(patch_tokens, blk=8):
    N, P, D = patch_tokens.shape
    return pl.pallas_call(
        functools.partial(_norms_topk_body, blk=blk, N=N, P=P),
        grid=(N // blk,),
        in_specs=[pl.BlockSpec((blk, P, D), lambda i: (i, 0, 0))],
        out_specs=pl.BlockSpec((N, K), lambda i: (0, 0)),
        out_shape=jax.ShapeDtypeStruct((N, K), jnp.int32),
        scratch_shapes=[pltpu.VMEM((N, P), jnp.float32)],
    )(patch_tokens)



def _make_sc_gather(V, D, N):
    nw = 32
    r_per_w = N // nw
    mesh = plsc.VectorSubcoreMesh(core_axis_name="c", subcore_axis_name="s")

    @functools.partial(
        pl.kernel,
        mesh=mesh,
        out_type=jax.ShapeDtypeStruct((N * K, D), jnp.float32),
        scratch_types=[
            pltpu.VMEM((r_per_w, K), jnp.int32),
            pltpu.VMEM((r_per_w * K, D), jnp.float32),
            pltpu.SemaphoreType.DMA((4,)),
            pltpu.SemaphoreType.DMA,
        ],
    )
    def gather_kernel(idx_hbm, table_hbm, out_hbm, idx_v, rows_v, sem_in, sem_out):
        wid = lax.axis_index("s") * 2 + lax.axis_index("c")
        base = wid * r_per_w
        pltpu.sync_copy(idx_hbm.at[pl.ds(base, r_per_w)], idx_v)
        gathers = []
        for j in range(r_per_w):
            vec = idx_v[j]
            gathers.append(
                pltpu.async_copy(
                    table_hbm.at[vec], rows_v.at[pl.ds(j * K, K)], sem_in.at[j]
                )
            )
        scatters = []
        for j in range(r_per_w):
            gathers[j].wait()
            scatters.append(
                pltpu.async_copy(
                    rows_v.at[pl.ds(j * K, K)],
                    out_hbm.at[pl.ds((base + j) * K, K)],
                    sem_out,
                )
            )
        for c in scatters:
            c.wait()

    return gather_kernel



def _proj_body(sel_ref, cls_ref, wp_ref, wf_ref, out_ref):
    sel = sel_ref[...]
    wp = wp_ref[...]
    proj = lax.dot_general(
        sel, wp, (((1,), (1,)), ((), ())), preferred_element_type=jnp.float32
    )
    O = proj.shape[-1]
    B = proj.shape[0] // K
    local = jnp.max(proj.reshape(B, K, O), axis=1)

    cls = cls_ref[...]
    wf = wf_ref[...]
    fused = lax.dot_general(
        cls, wf[:, :O], (((1,), (1,)), ((), ())), preferred_element_type=jnp.float32
    ) + lax.dot_general(
        local, wf[:, O:], (((1,), (1,)), ((), ())), preferred_element_type=jnp.float32
    )
    n = jnp.sqrt(jnp.sum(fused * fused, axis=-1, keepdims=True))
    out_ref[...] = fused / jnp.maximum(n, 1e-12)


def _project(selected, cls_feat, W_patch, W_fusion):
    NK, D = selected.shape
    N = NK // K
    O = W_patch.shape[0]
    blk = 64
    return pl.pallas_call(
        _proj_body,
        grid=(N // blk,),
        in_specs=[
            pl.BlockSpec((blk * K, D), lambda i: (i, 0)),
            pl.BlockSpec((blk, O), lambda i: (i, 0)),
            pl.BlockSpec((O, D), lambda i: (0, 0)),
            pl.BlockSpec((O, 2 * O), lambda i: (0, 0)),
        ],
        out_specs=pl.BlockSpec((blk, O), lambda i: (i, 0)),
        out_shape=jax.ShapeDtypeStruct((N, O), jnp.float32),
    )(selected, cls_feat, W_patch, W_fusion)


def kernel(cls_feat, patch_tokens, W_patch, W_fusion):
    N, P, D = patch_tokens.shape
    idx = _topk_indices(patch_tokens)
    table = patch_tokens.reshape(N * P, D)
    selected = _make_sc_gather(N * P, D, N)(idx, table)
    return _project(selected, cls_feat, W_patch, W_fusion)

# --- scband reference (transcript-rebuilt; emitter-appended) ---
"""Pipeline reference for scband-olphead-14671608283634 (READ-ONLY COPY).

The authoritative reference and input builder live on the scoring server;
editing this copy changes nothing except your own understanding.
"""

import jax, jax.numpy as jnp
import numpy as np


def setup_inputs(seed: int = 0) -> dict:
    key = jax.random.key(seed)
    k1, k2, k3, k4 = jax.random.split(key, 4)
    N, P, D, out_dim = 128, 576, 768, 512
    cls_feat = jax.random.normal(k1, (N, out_dim), dtype=jnp.float32)
    patch_tokens = jax.random.normal(k2, (N, P, D), dtype=jnp.float32)
    # xavier_uniform for patch_proj.weight: shape (out_dim, D)
    s1 = (6.0 / (D + out_dim)) ** 0.5
    W_patch = jax.random.uniform(k3, (out_dim, D), minval=-s1, maxval=s1, dtype=jnp.float32)
    # xavier_uniform for fusion.weight: shape (out_dim, 2*out_dim)
    s2 = (6.0 / (2 * out_dim + out_dim)) ** 0.5
    W_fusion = jax.random.uniform(k4, (out_dim, 2 * out_dim), minval=-s2, maxval=s2, dtype=jnp.float32)
    return {"cls_feat": cls_feat, "patch_tokens": patch_tokens, "W_patch": W_patch, "W_fusion": W_fusion}


def reference(cls_feat, patch_tokens, W_patch, W_fusion):
    k = 16
    N, P, D = patch_tokens.shape
    k = min(k, P)
    norms = jnp.linalg.norm(patch_tokens.astype(jnp.float32), axis=-1)  # (N, P)
    _, topk_idx = jax.lax.top_k(norms, k)  # (N, k)
    idx_expanded = jnp.broadcast_to(topk_idx[:, :, None], (N, k, D))
    selected = jnp.take_along_axis(patch_tokens, idx_expanded, axis=1)  # (N, k, D)
    local_feat = jnp.einsum('nkd,od->nko', selected.astype(cls_feat.dtype), W_patch)  # (N, k, out)
    local_feat = jnp.max(local_feat, axis=1)  # (N, out)
    fused = jnp.concatenate([cls_feat, local_feat], axis=-1) @ W_fusion.T  # (N, out)
    denom = jnp.maximum(jnp.linalg.norm(fused, axis=-1, keepdims=True), 1e-12)
    return fused / denom

if __name__ == "__main__":
    import jax
    _d = setup_inputs()
    print(jax.jit(kernel)(*tuple(_d.values())))

</pallas_src>

<mosaic_0001>
#map = affine_map<(d0, d1) -> (0, 0)>
module attributes {stable_mosaic.version = 14 : i64} {
  func.func @gather_kernel(%arg0: i32, %arg1: i32, %arg2: memref<128x16xi32, #tpu.memory_space<hbm>>, %arg3: memref<73728x768xf32, #tpu.memory_space<hbm>>, %arg4: memref<2048x768xf32, #tpu.memory_space<hbm>>, %arg5: memref<4x16xi32, #tpu.memory_space<vmem>>, %arg6: memref<64x768xf32, #tpu.memory_space<vmem>>, %arg7: memref<4x!tpu.dma_semaphore, #tpu.memory_space<semaphore_mem>>, %arg8: memref<!tpu.dma_semaphore, #tpu.memory_space<semaphore_mem>>) attributes {dimension_semantics = [#tpu.dimension_semantics<core_parallel>, #tpu.dimension_semantics<subcore_parallel>], iteration_bounds = array<i64: 2, 16>, scalar_prefetch = 0 : i64, scratch_operands = 4 : i64, tpu.core_type = #tpu.core_type<sc_vector_subcore>, window_params = [{transform_indices = #map}, {transform_indices = #map}, {transform_indices = #map}]} {
    %mul3A = arith.constant 2 : i32
    %mul3A_0 = arith.muli %arg1, %mul3A : i32
    %add3A = arith.addi %mul3A_0, %arg0 : i32
    %mul3A_1 = arith.constant 4 : i32
    %mul3A_2 = arith.muli %add3A, %mul3A_1 : i32
    "tpu.region"() ({
      %run_scoped3A = tpu.sem_alloc : memref<!tpu.dma_semaphore, #tpu.memory_space<semaphore_mem>>
      %dma_start3A_188 = arith.constant 0 : i32
      %dma_start3A_189 = tpu.memref_slice %arg2[%mul3A_2, %dma_start3A_188] : memref<128x16xi32, #tpu.memory_space<hbm>> -> memref<4x16xi32, #tpu.memory_space<hbm>>
      %dma_start3A_190 = arith.constant 0 : i32
      %dma_start3A_191 = tpu.memref_slice %arg2[%mul3A_2, %dma_start3A_190] : memref<128x16xi32, #tpu.memory_space<hbm>> -> memref<4x16xi32, #tpu.memory_space<hbm>>
      tpu.enqueue_dma source(%dma_start3A_191 : memref<4x16xi32, #tpu.memory_space<hbm>>) target(%arg5 : memref<4x16xi32, #tpu.memory_space<vmem>>) target_semaphore(%run_scoped3A : memref<!tpu.dma_semaphore, #tpu.memory_space<semaphore_mem>>)
      %dma_wait3A_192 = arith.constant 0 : i32
      %dma_wait3A_193 = tpu.memref_slice %arg2[%mul3A_2, %dma_wait3A_192] : memref<128x16xi32, #tpu.memory_space<hbm>> -> memref<4x16xi32, #tpu.memory_space<hbm>>
      %dma_wait3A_194 = arith.constant 0 : i32
      %dma_wait3A_195 = tpu.memref_slice %arg2[%mul3A_2, %dma_wait3A_194] : memref<128x16xi32, #tpu.memory_space<hbm>> -> memref<4x16xi32, #tpu.memory_space<hbm>>
      tpu.wait_dma2 semaphore(%run_scoped3A : memref<!tpu.dma_semaphore, #tpu.memory_space<semaphore_mem>>) src(%dma_wait3A_195 : memref<4x16xi32, #tpu.memory_space<hbm>>) dst(%arg5 : memref<4x16xi32, #tpu.memory_space<vmem>>)
      tpu.yield
    }) : () -> ()
    %get3A = arith.constant 0 : i32
    %get3A_3 = arith.index_cast %get3A : i32 to index
    %get3A_4 = arith.constant 0 : index
    %get3A_5 = tpu.vector_load %arg5[%get3A_3, %get3A_4] {strides = array<i32>} : memref<4x16xi32, #tpu.memory_space<vmem>>, vector<1x16xi32>,
    %get3A_6 = vector.shape_cast %get3A_5 : vector<1x16xi32> to vector<16xi32>
    %dma_start3A = arith.constant 0 : i32
    %dma_start3A_7 = arith.constant 0 : i32
    %dma_start3A_8 = arith.constant 0 : i32
    %dma_start3A_9 = tpu.memref_slice %arg6[%dma_start3A_7, %dma_start3A_8] : memref<64x768xf32, #tpu.memory_space<vmem>> -> memref<16x768xf32, #tpu.memory_space<vmem>>
    %dma_start3A_10 = arith.constant 0 : i32
    %dma_start3A_11 = arith.constant 0 : i32
    %dma_start3A_12 = tpu.memref_slice %arg3[%dma_start3A_10, %dma_start3A_11] : memref<73728x768xf32, #tpu.memory_space<hbm>> -> memref<73728x768xf32, #tpu.memory_space<hbm>>
    %dma_start3A_13 = tpu.memref_slice %arg7[%dma_start3A] : memref<4x!tpu.dma_semaphore, #tpu.memory_space<semaphore_mem>> -> memref<1x!tpu.dma_semaphore, #tpu.memory_space<semaphore_mem>>
    %dma_start3A_14 = tpu.memref_squeeze %dma_start3A_13 : memref<1x!tpu.dma_semaphore, #tpu.memory_space<semaphore_mem>> -> memref<!tpu.dma_semaphore, #tpu.memory_space<semaphore_mem>>
    tpu.enqueue_indirect_dma source(%dma_start3A_12 : memref<73728x768xf32, #tpu.memory_space<hbm>>) target(%dma_start3A_9 : memref<16x768xf32, #tpu.memory_space<vmem>>) offsets(%get3A_6 : vector<16xi32>) semaphore(%dma_start3A_14 : memref<!tpu.dma_semaphore, #tpu.memory_space<semaphore_mem>>)
    %get3A_15 = arith.constant 1 : i32
    %get3A_16 = arith.index_cast %get3A_15 : i32 to index
    %get3A_17 = arith.constant 0 : index
    %get3A_18 = tpu.vector_load %arg5[%get3A_16, %get3A_17] {strides = array<i32>} : memref<4x16xi32, #tpu.memory_space<vmem>>, vector<1x16xi32>,
    %get3A_19 = vector.shape_cast %get3A_18 : vector<1x16xi32> to vector<16xi32>
    %dma_start3A_20 = arith.constant 1 : i32
    %dma_start3A_21 = arith.constant 16 : i32
    %dma_start3A_22 = arith.constant 0 : i32
    %dma_start3A_23 = tpu.memref_slice %arg6[%dma_start3A_21, %dma_start3A_22] : memref<64x768xf32, #tpu.memory_space<vmem>> -> memref<16x768xf32, #tpu.memory_space<vmem>>
    %dma_start3A_24 = arith.constant 0 : i32
    %dma_start3A_25 = arith.constant 0 : i32
    %dma_start3A_26 = tpu.memref_slice %arg3[%dma_start3A_24, %dma_start3A_25] : memref<73728x768xf32, #tpu.memory_space<hbm>> -> memref<73728x768xf32, #tpu.memory_space<hbm>>
    %dma_start3A_27 = tpu.memref_slice %arg7[%dma_start3A_20] : memref<4x!tpu.dma_semaphore, #tpu.memory_space<semaphore_mem>> -> memref<1x!tpu.dma_semaphore, #tpu.memory_space<semaphore_mem>>
    %dma_start3A_28 = tpu.memref_squeeze %dma_start3A_27 : memref<1x!tpu.dma_semaphore, #tpu.memory_space<semaphore_mem>> -> memref<!tpu.dma_semaphore, #tpu.memory_space<semaphore_mem>>
    tpu.enqueue_indirect_dma source(%dma_start3A_26 : memref<73728x768xf32, #tpu.memory_space<hbm>>) target(%dma_start3A_23 : memref<16x768xf32, #tpu.memory_space<vmem>>) offsets(%get3A_19 : vector<16xi32>) semaphore(%dma_start3A_28 : memref<!tpu.dma_semaphore, #tpu.memory_space<semaphore_mem>>)
    %get3A_29 = arith.constant 2 : i32
    %get3A_30 = arith.index_cast %get3A_29 : i32 to index
    %get3A_31 = arith.constant 0 : index
    %get3A_32 = tpu.vector_load %arg5[%get3A_30, %get3A_31] {strides = array<i32>} : memref<4x16xi32, #tpu.memory_space<vmem>>, vector<1x16xi32>,
    %get3A_33 = vector.shape_cast %get3A_32 : vector<1x16xi32> to vector<16xi32>
    %dma_start3A_34 = arith.constant 2 : i32
    %dma_start3A_35 = arith.constant 32 : i32
    %dma_start3A_36 = arith.constant 0 : i32
    %dma_start3A_37 = tpu.memref_slice %arg6[%dma_start3A_35, %dma_start3A_36] : memref<64x768xf32, #tpu.memory_space<vmem>> -> memref<16x768xf32, #tpu.memory_space<vmem>>
    %dma_start3A_38 = arith.constant 0 : i32
    %dma_start3A_39 = arith.constant 0 : i32
    %dma_start3A_40 = tpu.memref_slice %arg3[%dma_start3A_38, %dma_start3A_39] : memref<73728x768xf32, #tpu.memory_space<hbm>> -> memref<73728x768xf32, #tpu.memory_space<hbm>>
    %dma_start3A_41 = tpu.memref_slice %arg7[%dma_start3A_34] : memref<4x!tpu.dma_semaphore, #tpu.memory_space<semaphore_mem>> -> memref<1x!tpu.dma_semaphore, #tpu.memory_space<semaphore_mem>>
    %dma_start3A_42 = tpu.memref_squeeze %dma_start3A_41 : memref<1x!tpu.dma_semaphore, #tpu.memory_space<semaphore_mem>> -> memref<!tpu.dma_semaphore, #tpu.memory_space<semaphore_mem>>
    tpu.enqueue_indirect_dma source(%dma_start3A_40 : memref<73728x768xf32, #tpu.memory_space<hbm>>) target(%dma_start3A_37 : memref<16x768xf32, #tpu.memory_space<vmem>>) offsets(%get3A_33 : vector<16xi32>) semaphore(%dma_start3A_42 : memref<!tpu.dma_semaphore, #tpu.memory_space<semaphore_mem>>)
    %get3A_43 = arith.constant 3 : i32
    %get3A_44 = arith.index_cast %get3A_43 : i32 to index
    %get3A_45 = arith.constant 0 : index
    %get3A_46 = tpu.vector_load %arg5[%get3A_44, %get3A_45] {strides = array<i32>} : memref<4x16xi32, #tpu.memory_space<vmem>>, vector<1x16xi32>,
    %get3A_47 = vector.shape_cast %get3A_46 : vector<1x16xi32> to vector<16xi32>
    %dma_start3A_48 = arith.constant 3 : i32
    %dma_start3A_49 = arith.constant 48 : i32
    %dma_start3A_50 = arith.constant 0 : i32
    %dma_start3A_51 = tpu.memref_slice %arg6[%dma_start3A_49, %dma_start3A_50] : memref<64x768xf32, #tpu.memory_space<vmem>> -> memref<16x768xf32, #tpu.memory_space<vmem>>
    %dma_start3A_52 = arith.constant 0 : i32
    %dma_start3A_53 = arith.constant 0 : i32
    %dma_start3A_54 = tpu.memref_slice %arg3[%dma_start3A_52, %dma_start3A_53] : memref<73728x768xf32, #tpu.memory_space<hbm>> -> memref<73728x768xf32, #tpu.memory_space<hbm>>
    %dma_start3A_55 = tpu.memref_slice %arg7[%dma_start3A_48] : memref<4x!tpu.dma_semaphore, #tpu.memory_space<semaphore_mem>> -> memref<1x!tpu.dma_semaphore, #tpu.memory_space<semaphore_mem>>
    %dma_start3A_56 = tpu.memref_squeeze %dma_start3A_55 : memref<1x!tpu.dma_semaphore, #tpu.memory_space<semaphore_mem>> -> memref<!tpu.dma_semaphore, #tpu.memory_space<semaphore_mem>>
    tpu.enqueue_indirect_dma source(%dma_start3A_54 : memref<73728x768xf32, #tpu.memory_space<hbm>>) target(%dma_start3A_51 : memref<16x768xf32, #tpu.memory_space<vmem>>) offsets(%get3A_47 : vector<16xi32>) semaphore(%dma_start3A_56 : memref<!tpu.dma_semaphore, #tpu.memory_space<semaphore_mem>>)
    %dma_wait3A = arith.constant 0 : i32
    %dma_wait3A_57 = arith.constant 0 : i32
    %dma_wait3A_58 = arith.constant 0 : i32
    %dma_wait3A_59 = tpu.memref_slice %arg6[%dma_wait3A_57, %dma_wait3A_58] : memref<64x768xf32, #tpu.memory_space<vmem>> -> memref<16x768xf32, #tpu.memory_space<vmem>>
    %dma_wait3A_60 = arith.constant 0 : i32
    %dma_wait3A_61 = arith.constant 0 : i32
    %dma_wait3A_62 = tpu.memref_slice %arg3[%dma_wait3A_60, %dma_wait3A_61] : memref<73728x768xf32, #tpu.memory_space<hbm>> -> memref<73728x768xf32, #tpu.memory_space<hbm>>
    %dma_wait3A_63 = tpu.memref_slice %arg7[%dma_wait3A] : memref<4x!tpu.dma_semaphore, #tpu.memory_space<semaphore_mem>> -> memref<1x!tpu.dma_semaphore, #tpu.memory_space<semaphore_mem>>
    %dma_wait3A_64 = tpu.memref_squeeze %dma_wait3A_63 : memref<1x!tpu.dma_semaphore, #tpu.memory_space<semaphore_mem>> -> memref<!tpu.dma_semaphore, #tpu.memory_space<semaphore_mem>>
    tpu.wait_indirect_dma semaphore(%dma_wait3A_64 : memref<!tpu.dma_semaphore, #tpu.memory_space<semaphore_mem>>) src(%dma_wait3A_62 : memref<73728x768xf32, #tpu.memory_space<hbm>>) dst(%dma_wait3A_59 : memref<16x768xf32, #tpu.memory_space<vmem>>)
    %add3A_65 = arith.constant 0 : i32
    %add3A_66 = arith.addi %mul3A_2, %add3A_65 : i32
    %mul3A_67 = arith.constant 16 : i32
    %mul3A_68 = arith.muli %add3A_66, %mul3A_67 : i32
    %dma_start3A_69 = arith.constant 0 : i32
    %dma_start3A_70 = arith.constant 0 : i32
    %dma_start3A_71 = tpu.memref_slice %arg6[%dma_start3A_69, %dma_start3A_70] : memref<64x768xf32, #tpu.memory_space<vmem>> -> memref<16x768xf32, #tpu.memory_space<vmem>>
    %dma_start3A_72 = arith.constant 0 : i32
    %dma_start3A_73 = tpu.memref_slice %arg4[%mul3A_68, %dma_start3A_72] : memref<2048x768xf32, #tpu.memory_space<hbm>> -> memref<16x768xf32, #tpu.memory_space<hbm>>
    %dma_start3A_74 = arith.constant 0 : i32
    %dma_start3A_75 = tpu.memref_slice %arg4[%mul3A_68, %dma_start3A_74] : memref<2048x768xf32, #tpu.memory_space<hbm>> -> memref<16x768xf32, #tpu.memory_space<hbm>>
    %dma_start3A_76 = arith.constant 0 : i32
    %dma_start3A_77 = arith.constant 0 : i32
    %dma_start3A_78 = tpu.memref_slice %arg6[%dma_start3A_76, %dma_start3A_77] : memref<64x768xf32, #tpu.memory_space<vmem>> -> memref<16x768xf32, #tpu.memory_space<vmem>>
    tpu.enqueue_dma source(%dma_start3A_78 : memref<16x768xf32, #tpu.memory_space<vmem>>) target(%dma_start3A_75 : memref<16x768xf32, #tpu.memory_space<hbm>>) target_semaphore(%arg8 : memref<!tpu.dma_semaphore, #tpu.memory_space<semaphore_mem>>)
    %dma_wait3A_79 = arith.constant 1 : i32
    %dma_wait3A_80 = arith.constant 16 : i32
    %dma_wait3A_81 = arith.constant 0 : i32
    %dma_wait3A_82 = tpu.memref_slice %arg6[%dma_wait3A_80, %dma_wait3A_81] : memref<64x768xf32, #tpu.memory_space<vmem>> -> memref<16x768xf32, #tpu.memory_space<vmem>>
    %dma_wait3A_83 = arith.constant 0 : i32
    %dma_wait3A_84 = arith.constant 0 : i32
    %dma_wait3A_85 = tpu.memref_slice %arg3[%dma_wait3A_83, %dma_wait3A_84] : memref<73728x768xf32, #tpu.memory_space<hbm>> -> memref<73728x768xf32, #tpu.memory_space<hbm>>
    %dma_wait3A_86 = tpu.memref_slice %arg7[%dma_wait3A_79] : memref<4x!tpu.dma_semaphore, #tpu.memory_space<semaphore_mem>> -> memref<1x!tpu.dma_semaphore, #tpu.memory_space<semaphore_mem>>
    %dma_wait3A_87 = tpu.memref_squeeze %dma_wait3A_86 : memref<1x!tpu.dma_semaphore, #tpu.memory_space<semaphore_mem>> -> memref<!tpu.dma_semaphore, #tpu.memory_space<semaphore_mem>>
    tpu.wait_indirect_dma semaphore(%dma_wait3A_87 : memref<!tpu.dma_semaphore, #tpu.memory_space<semaphore_mem>>) src(%dma_wait3A_85 : memref<73728x768xf32, #tpu.memory_space<hbm>>) dst(%dma_wait3A_82 : memref<16x768xf32, #tpu.memory_space<vmem>>)
    %add3A_88 = arith.constant 1 : i32
    %add3A_89 = arith.addi %mul3A_2, %add3A_88 : i32
    %mul3A_90 = arith.constant 16 : i32
    %mul3A_91 = arith.muli %add3A_89, %mul3A_90 : i32
    %dma_start3A_92 = arith.constant 16 : i32
    %dma_start3A_93 = arith.constant 0 : i32
    %dma_start3A_94 = tpu.memref_slice %arg6[%dma_start3A_92, %dma_start3A_93] : memref<64x768xf32, #tpu.memory_space<vmem>> -> memref<16x768xf32, #tpu.memory_space<vmem>>
    %dma_start3A_95 = arith.constant 0 : i32
    %dma_start3A_96 = tpu.memref_slice %arg4[%mul3A_91, %dma_start3A_95] : memref<2048x768xf32, #tpu.memory_space<hbm>> -> memref<16x768xf32, #tpu.memory_space<hbm>>
    %dma_start3A_97 = arith.constant 0 : i32
    %dma_start3A_98 = tpu.memref_slice %arg4[%mul3A_91, %dma_start3A_97] : memref<2048x768xf32, #tpu.memory_space<hbm>> -> memref<16x768xf32, #tpu.memory_space<hbm>>
    %dma_start3A_99 = arith.constant 16 : i32
    %dma_start3A_100 = arith.constant 0 : i32
    %dma_start3A_101 = tpu.memref_slice %arg6[%dma_start3A_99, %dma_start3A_100] : memref<64x768xf32, #tpu.memory_space<vmem>> -> memref<16x768xf32, #tpu.memory_space<vmem>>
    tpu.enqueue_dma source(%dma_start3A_101 : memref<16x768xf32, #tpu.memory_space<vmem>>) target(%dma_start3A_98 : memref<16x768xf32, #tpu.memory_space<hbm>>) target_semaphore(%arg8 : memref<!tpu.dma_semaphore, #tpu.memory_space<semaphore_mem>>)
    %dma_wait3A_102 = arith.constant 2 : i32
    %dma_wait3A_103 = arith.constant 32 : i32
    %dma_wait3A_104 = arith.constant 0 : i32
    %dma_wait3A_105 = tpu.memref_slice %arg6[%dma_wait3A_103, %dma_wait3A_104] : memref<64x768xf32, #tpu.memory_space<vmem>> -> memref<16x768xf32, #tpu.memory_space<vmem>>
    %dma_wait3A_106 = arith.constant 0 : i32
    %dma_wait3A_107 = arith.constant 0 : i32
    %dma_wait3A_108 = tpu.memref_slice %arg3[%dma_wait3A_106, %dma_wait3A_107] : memref<73728x768xf32, #tpu.memory_space<hbm>> -> memref<73728x768xf32, #tpu.memory_space<hbm>>
    %dma_wait3A_109 = tpu.memref_slice %arg7[%dma_wait3A_102] : memref<4x!tpu.dma_semaphore, #tpu.memory_space<semaphore_mem>> -> memref<1x!tpu.dma_semaphore, #tpu.memory_space<semaphore_mem>>
    %dma_wait3A_110 = tpu.memref_squeeze %dma_wait3A_109 : memref<1x!tpu.dma_semaphore, #tpu.memory_space<semaphore_mem>> -> memref<!tpu.dma_semaphore, #tpu.memory_space<semaphore_mem>>
    tpu.wait_indirect_dma semaphore(%dma_wait3A_110 : memref<!tpu.dma_semaphore, #tpu.memory_space<semaphore_mem>>) src(%dma_wait3A_108 : memref<73728x768xf32, #tpu.memory_space<hbm>>) dst(%dma_wait3A_105 : memref<16x768xf32, #tpu.memory_space<vmem>>)
    %add3A_111 = arith.constant 2 : i32
    %add3A_112 = arith.addi %mul3A_2, %add3A_111 : i32
    %mul3A_113 = arith.constant 16 : i32
    %mul3A_114 = arith.muli %add3A_112, %mul3A_113 : i32
    %dma_start3A_115 = arith.constant 32 : i32
    %dma_start3A_116 = arith.constant 0 : i32
    %dma_start3A_117 = tpu.memref_slice %arg6[%dma_start3A_115, %dma_start3A_116] : memref<64x768xf32, #tpu.memory_space<vmem>> -> memref<16x768xf32, #tpu.memory_space<vmem>>
    %dma_start3A_118 = arith.constant 0 : i32
    %dma_start3A_119 = tpu.memref_slice %arg4[%mul3A_114, %dma_start3A_118] : memref<2048x768xf32, #tpu.memory_space<hbm>> -> memref<16x768xf32, #tpu.memory_space<hbm>>
    %dma_start3A_120 = arith.constant 0 : i32
    %dma_start3A_121 = tpu.memref_slice %arg4[%mul3A_114, %dma_start3A_120] : memref<2048x768xf32, #tpu.memory_space<hbm>> -> memref<16x768xf32, #tpu.memory_space<hbm>>
    %dma_start3A_122 = arith.constant 32 : i32
    %dma_start3A_123 = arith.constant 0 : i32
    %dma_start3A_124 = tpu.memref_slice %arg6[%dma_start3A_122, %dma_start3A_123] : memref<64x768xf32, #tpu.memory_space<vmem>> -> memref<16x768xf32, #tpu.memory_space<vmem>>
    tpu.enqueue_dma source(%dma_start3A_124 : memref<16x768xf32, #tpu.memory_space<vmem>>) target(%dma_start3A_121 : memref<16x768xf32, #tpu.memory_space<hbm>>) target_semaphore(%arg8 : memref<!tpu.dma_semaphore, #tpu.memory_space<semaphore_mem>>)
    %dma_wait3A_125 = arith.constant 3 : i32
    %dma_wait3A_126 = arith.constant 48 : i32
    %dma_wait3A_127 = arith.constant 0 : i32
    %dma_wait3A_128 = tpu.memref_slice %arg6[%dma_wait3A_126, %dma_wait3A_127] : memref<64x768xf32, #tpu.memory_space<vmem>> -> memref<16x768xf32, #tpu.memory_space<vmem>>
    %dma_wait3A_129 = arith.constant 0 : i32
    %dma_wait3A_130 = arith.constant 0 : i32
    %dma_wait3A_131 = tpu.memref_slice %arg3[%dma_wait3A_129, %dma_wait3A_130] : memref<73728x768xf32, #tpu.memory_space<hbm>> -> memref<73728x768xf32, #tpu.memory_space<hbm>>
    %dma_wait3A_132 = tpu.memref_slice %arg7[%dma_wait3A_125] : memref<4x!tpu.dma_semaphore, #tpu.memory_space<semaphore_mem>> -> memref<1x!tpu.dma_semaphore, #tpu.memory_space<semaphore_mem>>
    %dma_wait3A_133 = tpu.memref_squeeze %dma_wait3A_132 : memref<1x!tpu.dma_semaphore, #tpu.memory_space<semaphore_mem>> -> memref<!tpu.dma_semaphore, #tpu.memory_space<semaphore_mem>>
    tpu.wait_indirect_dma semaphore(%dma_wait3A_133 : memref<!tpu.dma_semaphore, #tpu.memory_space<semaphore_mem>>) src(%dma_wait3A_131 : memref<73728x768xf32, #tpu.memory_space<hbm>>) dst(%dma_wait3A_128 : memref<16x768xf32, #tpu.memory_space<vmem>>)
    %add3A_134 = arith.constant 3 : i32
    %add3A_135 = arith.addi %mul3A_2, %add3A_134 : i32
    %mul3A_136 = arith.constant 16 : i32
    %mul3A_137 = arith.muli %add3A_135, %mul3A_136 : i32
    %dma_start3A_138 = arith.constant 48 : i32
    %dma_start3A_139 = arith.constant 0 : i32
    %dma_start3A_140 = tpu.memref_slice %arg6[%dma_start3A_138, %dma_start3A_139] : memref<64x768xf32, #tpu.memory_space<vmem>> -> memref<16x768xf32, #tpu.memory_space<vmem>>
    %dma_start3A_141 = arith.constant 0 : i32
    %dma_start3A_142 = tpu.memref_slice %arg4[%mul3A_137, %dma_start3A_141] : memref<2048x768xf32, #tpu.memory_space<hbm>> -> memref<16x768xf32, #tpu.memory_space<hbm>>
    %dma_start3A_143 = arith.constant 0 : i32
    %dma_start3A_144 = tpu.memref_slice %arg4[%mul3A_137, %dma_start3A_143] : memref<2048x768xf32, #tpu.memory_space<hbm>> -> memref<16x768xf32, #tpu.memory_space<hbm>>
    %dma_start3A_145 = arith.constant 48 : i32
    %dma_start3A_146 = arith.constant 0 : i32
    %dma_start3A_147 = tpu.memref_slice %arg6[%dma_start3A_145, %dma_start3A_146] : memref<64x768xf32, #tpu.memory_space<vmem>> -> memref<16x768xf32, #tpu.memory_space<vmem>>
    tpu.enqueue_dma source(%dma_start3A_147 : memref<16x768xf32, #tpu.memory_space<vmem>>) target(%dma_start3A_144 : memref<16x768xf32, #tpu.memory_space<hbm>>) target_semaphore(%arg8 : memref<!tpu.dma_semaphore, #tpu.memory_space<semaphore_mem>>)
    %dma_wait3A_148 = arith.constant 0 : i32
    %dma_wait3A_149 = arith.constant 0 : i32
    %dma_wait3A_150 = tpu.memref_slice %arg6[%dma_wait3A_148, %dma_wait3A_149] : memref<64x768xf32, #tpu.memory_space<vmem>> -> memref<16x768xf32, #tpu.memory_space<vmem>>
    %dma_wait3A_151 = arith.constant 0 : i32
    %dma_wait3A_152 = tpu.memref_slice %arg4[%mul3A_68, %dma_wait3A_151] : memref<2048x768xf32, #tpu.memory_space<hbm>> -> memref<16x768xf32, #tpu.memory_space<hbm>>
    %dma_wait3A_153 = arith.constant 0 : i32
    %dma_wait3A_154 = tpu.memref_slice %arg4[%mul3A_68, %dma_wait3A_153] : memref<2048x768xf32, #tpu.memory_space<hbm>> -> memref<16x768xf32, #tpu.memory_space<hbm>>
    %dma_wait3A_155 = arith.constant 0 : i32
    %dma_wait3A_156 = arith.constant 0 : i32
    %dma_wait3A_157 = tpu.memref_slice %arg6[%dma_wait3A_155, %dma_wait3A_156] : memref<64x768xf32, #tpu.memory_space<vmem>> -> memref<16x768xf32, #tpu.memory_space<vmem>>
    tpu.wait_dma2 semaphore(%arg8 : memref<!tpu.dma_semaphore, #tpu.memory_space<semaphore_mem>>) src(%dma_wait3A_157 : memref<16x768xf32, #tpu.memory_space<vmem>>) dst(%dma_wait3A_154 : memref<16x768xf32, #tpu.memory_space<hbm>>)
    %dma_wait3A_158 = arith.constant 16 : i32
    %dma_wait3A_159 = arith.constant 0 : i32
    %dma_wait3A_160 = tpu.memref_slice %arg6[%dma_wait3A_158, %dma_wait3A_159] : memref<64x768xf32, #tpu.memory_space<vmem>> -> memref<16x768xf32, #tpu.memory_space<vmem>>
    %dma_wait3A_161 = arith.constant 0 : i32
    %dma_wait3A_162 = tpu.memref_slice %arg4[%mul3A_91, %dma_wait3A_161] : memref<2048x768xf32, #tpu.memory_space<hbm>> -> memref<16x768xf32, #tpu.memory_space<hbm>>
    %dma_wait3A_163 = arith.constant 0 : i32
    %dma_wait3A_164 = tpu.memref_slice %arg4[%mul3A_91, %dma_wait3A_163] : memref<2048x768xf32, #tpu.memory_space<hbm>> -> memref<16x768xf32, #tpu.memory_space<hbm>>
    %dma_wait3A_165 = arith.constant 16 : i32
    %dma_wait3A_166 = arith.constant 0 : i32
    %dma_wait3A_167 = tpu.memref_slice %arg6[%dma_wait3A_165, %dma_wait3A_166] : memref<64x768xf32, #tpu.memory_space<vmem>> -> memref<16x768xf32, #tpu.memory_space<vmem>>
    tpu.wait_dma2 semaphore(%arg8 : memref<!tpu.dma_semaphore, #tpu.memory_space<semaphore_mem>>) src(%dma_wait3A_167 : memref<16x768xf32, #tpu.memory_space<vmem>>) dst(%dma_wait3A_164 : memref<16x768xf32, #tpu.memory_space<hbm>>)
    %dma_wait3A_168 = arith.constant 32 : i32
    %dma_wait3A_169 = arith.constant 0 : i32
    %dma_wait3A_170 = tpu.memref_slice %arg6[%dma_wait3A_168, %dma_wait3A_169] : memref<64x768xf32, #tpu.memory_space<vmem>> -> memref<16x768xf32, #tpu.memory_space<vmem>>
    %dma_wait3A_171 = arith.constant 0 : i32
    %dma_wait3A_172 = tpu.memref_slice %arg4[%mul3A_114, %dma_wait3A_171] : memref<2048x768xf32, #tpu.memory_space<hbm>> -> memref<16x768xf32, #tpu.memory_space<hbm>>
    %dma_wait3A_173 = arith.constant 0 : i32
    %dma_wait3A_174 = tpu.memref_slice %arg4[%mul3A_114, %dma_wait3A_173] : memref<2048x768xf32, #tpu.memory_space<hbm>> -> memref<16x768xf32, #tpu.memory_space<hbm>>
    %dma_wait3A_175 = arith.constant 32 : i32
    %dma_wait3A_176 = arith.constant 0 : i32
    %dma_wait3A_177 = tpu.memref_slice %arg6[%dma_wait3A_175, %dma_wait3A_176] : memref<64x768xf32, #tpu.memory_space<vmem>> -> memref<16x768xf32, #tpu.memory_space<vmem>>
    tpu.wait_dma2 semaphore(%arg8 : memref<!tpu.dma_semaphore, #tpu.memory_space<semaphore_mem>>) src(%dma_wait3A_177 : memref<16x768xf32, #tpu.memory_space<vmem>>) dst(%dma_wait3A_174 : memref<16x768xf32, #tpu.memory_space<hbm>>)
    %dma_wait3A_178 = arith.constant 48 : i32
    %dma_wait3A_179 = arith.constant 0 : i32
    %dma_wait3A_180 = tpu.memref_slice %arg6[%dma_wait3A_178, %dma_wait3A_179] : memref<64x768xf32, #tpu.memory_space<vmem>> -> memref<16x768xf32, #tpu.memory_space<vmem>>
    %dma_wait3A_181 = arith.constant 0 : i32
    %dma_wait3A_182 = tpu.memref_slice %arg4[%mul3A_137, %dma_wait3A_181] : memref<2048x768xf32, #tpu.memory_space<hbm>> -> memref<16x768xf32, #tpu.memory_space<hbm>>
    %dma_wait3A_183 = arith.constant 0 : i32
    %dma_wait3A_184 = tpu.memref_slice %arg4[%mul3A_137, %dma_wait3A_183] : memref<2048x768xf32, #tpu.memory_space<hbm>> -> memref<16x768xf32, #tpu.memory_space<hbm>>
    %dma_wait3A_185 = arith.constant 48 : i32
    %dma_wait3A_186 = arith.constant 0 : i32
    %dma_wait3A_187 = tpu.memref_slice %arg6[%dma_wait3A_185, %dma_wait3A_186] : memref<64x768xf32, #tpu.memory_space<vmem>> -> memref<16x768xf32, #tpu.memory_space<vmem>>
    tpu.wait_dma2 semaphore(%arg8 : memref<!tpu.dma_semaphore, #tpu.memory_space<semaphore_mem>>) src(%dma_wait3A_187 : memref<16x768xf32, #tpu.memory_space<vmem>>) dst(%dma_wait3A_184 : memref<16x768xf32, #tpu.memory_space<hbm>>)
    return
  }
}

module attributes {stable_mosaic.version = 14 : i64} {
  func.func @_proj_body(%arg0: i32, %arg1: memref<1024x768xf32, #tpu.memory_space<vmem>>, %arg2: memref<64x512xf32, #tpu.memory_space<vmem>>, %arg3: memref<512x768xf32, #tpu.memory_space<vmem>>, %arg4: memref<512x1024xf32, #tpu.memory_space<vmem>>, %arg5: memref<64x512xf32, #tpu.memory_space<vmem>>) attributes {dimension_semantics = [#tpu.dimension_semantics<arbitrary>], iteration_bounds = array<i64: 2>, scalar_prefetch = 0 : i64, scratch_operands = 0 : i64, tpu.core_type = #tpu.core_type<tc>, window_params = [{transform_indices = @transform_0, window_bounds = array<i64: 1024, 768>}, {transform_indices = @transform_1, window_bounds = array<i64: 64, 512>}, {pipeline_mode = #tpu.pipeline_mode<synchronous>, transform_indices = @transform_2, window_bounds = array<i64: 512, 768>}, {pipeline_mode = #tpu.pipeline_mode<synchronous>, transform_indices = @transform_3, window_bounds = array<i64: 512, 1024>}, {transform_indices = @transform_4, window_bounds = array<i64: 64, 512>}]} {
    %get3A = arith.constant 0 : index
    %get3A_0 = arith.constant 0 : index
    %get3A_1 = vector.load %arg1[%get3A, %get3A_0] : memref<1024x768xf32, #tpu.memory_space<vmem>>, vector<1024x768xf32>
    %get3A_2 = arith.constant 0 : index
    %get3A_3 = arith.constant 0 : index
    %get3A_4 = vector.load %arg3[%get3A_2, %get3A_3] : memref<512x768xf32, #tpu.memory_space<vmem>>, vector<512x768xf32>
    %dot_general3A = arith.constant dense<0.000000e+00> : vector<1024x512xf32>
    %dot_general3A_5 = tpu.matmul %get3A_1, %get3A_4, %dot_general3A {dimension_numbers = #tpu.dot_dimension_numbers<[1], [1], [0], [0], [0, 0, 1, 0], [], []>, transpose_lhs_hint = false} : vector<1024x768xf32>, vector<512x768xf32>, vector<1024x512xf32> -> vector<1024x512xf32>
    %reshape3A = vector.shape_cast %dot_general3A_5 : vector<1024x512xf32> to vector<64x16x512xf32>
    %reduce_max3A = arith.constant dense<0xFF800000> : vector<64x512xf32>
    %reduce_max3A_6 = vector.multi_reduction <maximumf>, %reshape3A, %reduce_max3A [1] : vector<64x16x512xf32> to vector<64x512xf32>
    %get3A_7 = arith.constant 0 : index
    %get3A_8 = arith.constant 0 : index
    %get3A_9 = vector.load %arg2[%get3A_7, %get3A_8] : memref<64x512xf32, #tpu.memory_space<vmem>>, vector<64x512xf32>
    %get3A_10 = arith.constant 0 : index
    %get3A_11 = arith.constant 0 : index
    %get3A_12 = vector.load %arg4[%get3A_10, %get3A_11] : memref<512x1024xf32, #tpu.memory_space<vmem>>, vector<512x1024xf32>
    %slice3A = vector.extract_strided_slice %get3A_12 {offsets = [0, 0], sizes = [512, 512], strides = [1, 1]} : vector<512x1024xf32> to vector<512x512xf32>
    %dot_general3A_13 = arith.constant dense<0.000000e+00> : vector<64x512xf32>
    %dot_general3A_14 = tpu.matmul %get3A_9, %slice3A, %dot_general3A_13 {dimension_numbers = #tpu.dot_dimension_numbers<[1], [1], [0], [0], [0, 0, 1, 0], [], []>, transpose_lhs_hint = false} : vector<64x512xf32>, vector<512x512xf32>, vector<64x512xf32> -> vector<64x512xf32>
    %slice3A_15 = vector.extract_strided_slice %get3A_12 {offsets = [0, 512], sizes = [512, 512], strides = [1, 1]} : vector<512x1024xf32> to vector<512x512xf32>
    %dot_general3A_16 = arith.constant dense<0.000000e+00> : vector<64x512xf32>
    %dot_general3A_17 = tpu.matmul %reduce_max3A_6, %slice3A_15, %dot_general3A_16 {dimension_numbers = #tpu.dot_dimension_numbers<[1], [1], [0], [0], [0, 0, 1, 0], [], []>, transpose_lhs_hint = false} : vector<64x512xf32>, vector<512x512xf32>, vector<64x512xf32> -> vector<64x512xf32>
    %add3A = arith.addf %dot_general3A_14, %dot_general3A_17 : vector<64x512xf32>
    %mul3A = arith.mulf %add3A, %add3A : vector<64x512xf32>
    %reduce_sum3A = arith.constant dense<0.000000e+00> : vector<64xf32>
    %reduce_sum3A_18 = vector.multi_reduction <add>, %mul3A, %reduce_sum3A [1] : vector<64x512xf32> to vector<64xf32>
    %broadcast_in_dim3A = vector.shape_cast %reduce_sum3A_18 : vector<64xf32> to vector<64x1xf32>
    %sqrt3A = math.sqrt %broadcast_in_dim3A : vector<64x1xf32>
    %max3A = arith.constant 9.99999996E-13 : f32
    %max3A_19 = vector.broadcast %max3A : f32 to vector<64x1xf32>
    %max3A_20 = arith.maximumf %sqrt3A, %max3A_19 : vector<64x1xf32>
    %div3A = vector.broadcast %max3A_20 : vector<64x1xf32> to vector<64x512xf32>
    %div3A_21 = arith.divf %add3A, %div3A : vector<64x512xf32>
    %swap3A = arith.constant 0 : index
    %swap3A_22 = arith.constant 0 : index
    %swap3A_23 = vector.load %arg5[%swap3A, %swap3A_22] : memref<64x512xf32, #tpu.memory_space<vmem>>, vector<64x512xf32>
    tpu.vector_store %arg5[%swap3A, %swap3A_22], %div3A_21 {strides = array<i32>} : memref<64x512xf32, #tpu.memory_space<vmem>>, vector<64x512xf32>,
    return
  }
  func.func @transform_0(%arg0: i32) -> (i32, i32) {
    %c0_i32 = arith.constant 0 : i32
    %c0_i32_0 = arith.constant 0 : i32
    return %arg0, %c0_i32 : i32, i32
  }
  func.func @transform_1(%arg0: i32) -> (i32, i32) {
    %c0_i32 = arith.constant 0 : i32
    %c0_i32_0 = arith.constant 0 : i32
    return %arg0, %c0_i32 : i32, i32
  }
  func.func @transform_2(%arg0: i32) -> (i32, i32) {
    %c0_i32 = arith.constant 0 : i32
    %c0_i32_0 = arith.constant 0 : i32
    %c0_i32_1 = arith.constant 0 : i32
    return %c0_i32, %c0_i32_0 : i32, i32
  }
  func.func @transform_3(%arg0: i32) -> (i32, i32) {
    %c0_i32 = arith.constant 0 : i32
    %c0_i32_0 = arith.constant 0 : i32
    %c0_i32_1 = arith.constant 0 : i32
    return %c0_i32, %c0_i32_0 : i32, i32
  }
  func.func @transform_4(%arg0: i32) -> (i32, i32) {
    %c0_i32 = arith.constant 0 : i32
    %c0_i32_0 = arith.constant 0 : i32
    return %arg0, %c0_i32 : i32, i32
  }
}

module attributes {stable_mosaic.version = 14 : i64} {
  func.func @_norms_topk_body(%arg0: i32, %arg1: memref<8x576x768xf32, #tpu.memory_space<vmem>>, %arg2: memref<128x16xi32, #tpu.memory_space<vmem>>, %arg3: memref<128x576xf32, #tpu.memory_space<vmem>>) attributes {dimension_semantics = [#tpu.dimension_semantics<arbitrary>], iteration_bounds = array<i64: 16>, scalar_prefetch = 0 : i64, scratch_operands = 1 : i64, tpu.core_type = #tpu.core_type<tc>, window_params = [{transform_indices = @transform_0, window_bounds = array<i64: 8, 576, 768>}, {pipeline_mode = #tpu.pipeline_mode<synchronous>, transform_indices = @transform_1, window_bounds = array<i64: 128, 16>}]} {
    %get3A = arith.constant 0 : index
    %get3A_0 = arith.constant 0 : index
    %get3A_1 = arith.constant 0 : index
    %get3A_2 = vector.load %arg1[%get3A, %get3A_0, %get3A_1] : memref<8x576x768xf32, #tpu.memory_space<vmem>>, vector<8x576x768xf32>
    %mul3A = arith.mulf %get3A_2, %get3A_2 : vector<8x576x768xf32>
    %reduce_sum3A = arith.constant dense<0.000000e+00> : vector<8x576xf32>
    %reduce_sum3A_3 = vector.multi_reduction <add>, %mul3A, %reduce_sum3A [2] : vector<8x576x768xf32> to vector<8x576xf32>
    %mul3A_4 = arith.constant 8 : i32
    %mul3A_5 = arith.muli %arg0, %mul3A_4 : i32
    %swap3A = arith.index_cast %mul3A_5 : i32 to index
    %swap3A_6 = arith.constant 0 : index
    %swap3A_7 = vector.load %arg3[%swap3A, %swap3A_6] : memref<128x576xf32, #tpu.memory_space<vmem>>, vector<8x576xf32>
    tpu.vector_store %arg3[%swap3A, %swap3A_6], %reduce_sum3A_3 {strides = array<i32>} : memref<128x576xf32, #tpu.memory_space<vmem>>, vector<8x576xf32>,
    %eq3A = arith.constant 15 : i32
    %eq3A_8 = arith.cmpi eq, %arg0, %eq3A : i32
    %convert_element_type3A = arith.extui %eq3A_8 : i1 to i32
    %cond3A = arith.constant 0 : i32
    %cond3A_9 = arith.cmpi ne, %convert_element_type3A, %cond3A : i32
    scf.if %cond3A_9 {
      %get3A_10 = arith.constant 0 : index
      %get3A_11 = arith.constant 0 : index
      %get3A_12 = vector.load %arg3[%get3A_10, %get3A_11] : memref<128x576xf32, #tpu.memory_space<vmem>>, vector<128x576xf32>
      %iota3A = tpu.iota {dimensions = array<i32: 1>} : vector<128x576xi32>
      %reduce_max3A = arith.constant dense<0xFF800000> : vector<128xf32>
      %reduce_max3A_13 = vector.multi_reduction <maximumf>, %get3A_12, %reduce_max3A [1] : vector<128x576xf32> to vector<128xf32>
      %broadcast_in_dim3A = vector.shape_cast %reduce_max3A_13 : vector<128xf32> to vector<128x1xf32>
      %eq3A_14 = vector.broadcast %broadcast_in_dim3A : vector<128x1xf32> to vector<128x576xf32>
      %eq3A_15 = arith.cmpf oeq, %get3A_12, %eq3A_14 : vector<128x576xf32>
      %jit3A = arith.constant 1073741824 : i32
      %broadcast_in_dim3A_16 = vector.broadcast %jit3A : i32 to vector<128x576xi32>
      %select_n3A = arith.select %eq3A_15, %iota3A, %broadcast_in_dim3A_16 : vector<128x576xi1>, vector<128x576xi32>
      %reduce_min3A = arith.constant dense<2147483647> : vector<128xi32>
      %reduce_min3A_17 = vector.multi_reduction <minsi>, %select_n3A, %reduce_min3A [1] : vector<128x576xi32> to vector<128xi32>
      %broadcast_in_dim3A_18 = vector.shape_cast %reduce_min3A_17 : vector<128xi32> to vector<128x1xi32>
      %eq3A_19 = vector.broadcast %broadcast_in_dim3A_18 : vector<128x1xi32> to vector<128x576xi32>
      %eq3A_20 = arith.cmpi eq, %iota3A, %eq3A_19 : vector<128x576xi32>
      %jit3A_21 = arith.constant -1.000000e+00 : f32
      %broadcast_in_dim3A_22 = vector.broadcast %jit3A_21 : f32 to vector<128x576xf32>
      %select_n3A_23 = arith.select %eq3A_20, %broadcast_in_dim3A_22, %get3A_12 : vector<128x576xi1>, vector<128x576xf32>
      %reduce_max3A_24 = arith.constant dense<0xFF800000> : vector<128xf32>
      %reduce_max3A_25 = vector.multi_reduction <maximumf>, %select_n3A_23, %reduce_max3A_24 [1] : vector<128x576xf32> to vector<128xf32>
      %broadcast_in_dim3A_26 = vector.shape_cast %reduce_max3A_25 : vector<128xf32> to vector<128x1xf32>
      %eq3A_27 = vector.broadcast %broadcast_in_dim3A_26 : vector<128x1xf32> to vector<128x576xf32>
      %eq3A_28 = arith.cmpf oeq, %select_n3A_23, %eq3A_27 : vector<128x576xf32>
      %jit3A_29 = arith.constant 1073741824 : i32
      %broadcast_in_dim3A_30 = vector.broadcast %jit3A_29 : i32 to vector<128x576xi32>
      %select_n3A_31 = arith.select %eq3A_28, %iota3A, %broadcast_in_dim3A_30 : vector<128x576xi1>, vector<128x576xi32>
      %reduce_min3A_32 = arith.constant dense<2147483647> : vector<128xi32>
      %reduce_min3A_33 = vector.multi_reduction <minsi>, %select_n3A_31, %reduce_min3A_32 [1] : vector<128x576xi32> to vector<128xi32>
      %broadcast_in_dim3A_34 = vector.shape_cast %reduce_min3A_33 : vector<128xi32> to vector<128x1xi32>
      %eq3A_35 = vector.broadcast %broadcast_in_dim3A_34 : vector<128x1xi32> to vector<128x576xi32>
      %eq3A_36 = arith.cmpi eq, %iota3A, %eq3A_35 : vector<128x576xi32>
      %jit3A_37 = arith.constant -1.000000e+00 : f32
      %broadcast_in_dim3A_38 = vector.broadcast %jit3A_37 : f32 to vector<128x576xf32>
      %select_n3A_39 = arith.select %eq3A_36, %broadcast_in_dim3A_38, %select_n3A_23 : vector<128x576xi1>, vector<128x576xf32>
      %reduce_max3A_40 = arith.constant dense<0xFF800000> : vector<128xf32>
      %reduce_max3A_41 = vector.multi_reduction <maximumf>, %select_n3A_39, %reduce_max3A_40 [1] : vector<128x576xf32> to vector<128xf32>
      %broadcast_in_dim3A_42 = vector.shape_cast %reduce_max3A_41 : vector<128xf32> to vector<128x1xf32>
      %eq3A_43 = vector.broadcast %broadcast_in_dim3A_42 : vector<128x1xf32> to vector<128x576xf32>
      %eq3A_44 = arith.cmpf oeq, %select_n3A_39, %eq3A_43 : vector<128x576xf32>
      %jit3A_45 = arith.constant 1073741824 : i32
      %broadcast_in_dim3A_46 = vector.broadcast %jit3A_45 : i32 to vector<128x576xi32>
      %select_n3A_47 = arith.select %eq3A_44, %iota3A, %broadcast_in_dim3A_46 : vector<128x576xi1>, vector<128x576xi32>
      %reduce_min3A_48 = arith.constant dense<2147483647> : vector<128xi32>
      %reduce_min3A_49 = vector.multi_reduction <minsi>, %select_n3A_47, %reduce_min3A_48 [1] : vector<128x576xi32> to vector<128xi32>
      %broadcast_in_dim3A_50 = vector.shape_cast %reduce_min3A_49 : vector<128xi32> to vector<128x1xi32>
      %eq3A_51 = vector.broadcast %broadcast_in_dim3A_50 : vector<128x1xi32> to vector<128x576xi32>
      %eq3A_52 = arith.cmpi eq, %iota3A, %eq3A_51 : vector<128x576xi32>
      %jit3A_53 = arith.constant -1.000000e+00 : f32
      %broadcast_in_dim3A_54 = vector.broadcast %jit3A_53 : f32 to vector<128x576xf32>
      %select_n3A_55 = arith.select %eq3A_52, %broadcast_in_dim3A_54, %select_n3A_39 : vector<128x576xi1>, vector<128x576xf32>
      %reduce_max3A_56 = arith.constant dense<0xFF800000> : vector<128xf32>
      %reduce_max3A_57 = vector.multi_reduction <maximumf>, %select_n3A_55, %reduce_max3A_56 [1] : vector<128x576xf32> to vector<128xf32>
      %broadcast_in_dim3A_58 = vector.shape_cast %reduce_max3A_57 : vector<128xf32> to vector<128x1xf32>
      %eq3A_59 = vector.broadcast %broadcast_in_dim3A_58 : vector<128x1xf32> to vector<128x576xf32>
      %eq3A_60 = arith.cmpf oeq, %select_n3A_55, %eq3A_59 : vector<128x576xf32>
      %jit3A_61 = arith.constant 1073741824 : i32
      %broadcast_in_dim3A_62 = vector.broadcast %jit3A_61 : i32 to vector<128x576xi32>
      %select_n3A_63 = arith.select %eq3A_60, %iota3A, %broadcast_in_dim3A_62 : vector<128x576xi1>, vector<128x576xi32>
      %reduce_min3A_64 = arith.constant dense<2147483647> : vector<128xi32>
      %reduce_min3A_65 = vector.multi_reduction <minsi>, %select_n3A_63, %reduce_min3A_64 [1] : vector<128x576xi32> to vector<128xi32>
      %broadcast_in_dim3A_66 = vector.shape_cast %reduce_min3A_65 : vector<128xi32> to vector<128x1xi32>
      %eq3A_67 = vector.broadcast %broadcast_in_dim3A_66 : vector<128x1xi32> to vector<128x576xi32>
      %eq3A_68 = arith.cmpi eq, %iota3A, %eq3A_67 : vector<128x576xi32>
      %jit3A_69 = arith.constant -1.000000e+00 : f32
      %broadcast_in_dim3A_70 = vector.broadcast %jit3A_69 : f32 to vector<128x576xf32>
      %select_n3A_71 = arith.select %eq3A_68, %broadcast_in_dim3A_70, %select_n3A_55 : vector<128x576xi1>, vector<128x576xf32>
      %reduce_max3A_72 = arith.constant dense<0xFF800000> : vector<128xf32>
      %reduce_max3A_73 = vector.multi_reduction <maximumf>, %select_n3A_71, %reduce_max3A_72 [1] : vector<128x576xf32> to vector<128xf32>
      %broadcast_in_dim3A_74 = vector.shape_cast %reduce_max3A_73 : vector<128xf32> to vector<128x1xf32>
      %eq3A_75 = vector.broadcast %broadcast_in_dim3A_74 : vector<128x1xf32> to vector<128x576xf32>
      %eq3A_76 = arith.cmpf oeq, %select_n3A_71, %eq3A_75 : vector<128x576xf32>
      %jit3A_77 = arith.constant 1073741824 : i32
      %broadcast_in_dim3A_78 = vector.broadcast %jit3A_77 : i32 to vector<128x576xi32>
      %select_n3A_79 = arith.select %eq3A_76, %iota3A, %broadcast_in_dim3A_78 : vector<128x576xi1>, vector<128x576xi32>
      %reduce_min3A_80 = arith.constant dense<2147483647> : vector<128xi32>
      %reduce_min3A_81 = vector.multi_reduction <minsi>, %select_n3A_79, %reduce_min3A_80 [1] : vector<128x576xi32> to vector<128xi32>
      %broadcast_in_dim3A_82 = vector.shape_cast %reduce_min3A_81 : vector<128xi32> to vector<128x1xi32>
      %eq3A_83 = vector.broadcast %broadcast_in_dim3A_82 : vector<128x1xi32> to vector<128x576xi32>
      %eq3A_84 = arith.cmpi eq, %iota3A, %eq3A_83 : vector<128x576xi32>
      %jit3A_85 = arith.constant -1.000000e+00 : f32
      %broadcast_in_dim3A_86 = vector.broadcast %jit3A_85 : f32 to vector<128x576xf32>
      %select_n3A_87 = arith.select %eq3A_84, %broadcast_in_dim3A_86, %select_n3A_71 : vector<128x576xi1>, vector<128x576xf32>
      %reduce_max3A_88 = arith.constant dense<0xFF800000> : vector<128xf32>
      %reduce_max3A_89 = vector.multi_reduction <maximumf>, %select_n3A_87, %reduce_max3A_88 [1] : vector<128x576xf32> to vector<128xf32>
      %broadcast_in_dim3A_90 = vector.shape_cast %reduce_max3A_89 : vector<128xf32> to vector<128x1xf32>
      %eq3A_91 = vector.broadcast %broadcast_in_dim3A_90 : vector<128x1xf32> to vector<128x576xf32>
      %eq3A_92 = arith.cmpf oeq, %select_n3A_87, %eq3A_91 : vector<128x576xf32>
      %jit3A_93 = arith.constant 1073741824 : i32
      %broadcast_in_dim3A_94 = vector.broadcast %jit3A_93 : i32 to vector<128x576xi32>
      %select_n3A_95 = arith.select %eq3A_92, %iota3A, %broadcast_in_dim3A_94 : vector<128x576xi1>, vector<128x576xi32>
      %reduce_min3A_96 = arith.constant dense<2147483647> : vector<128xi32>
      %reduce_min3A_97 = vector.multi_reduction <minsi>, %select_n3A_95, %reduce_min3A_96 [1] : vector<128x576xi32> to vector<128xi32>
      %broadcast_in_dim3A_98 = vector.shape_cast %reduce_min3A_97 : vector<128xi32> to vector<128x1xi32>
      %eq3A_99 = vector.broadcast %broadcast_in_dim3A_98 : vector<128x1xi32> to vector<128x576xi32>
      %eq3A_100 = arith.cmpi eq, %iota3A, %eq3A_99 : vector<128x576xi32>
      %jit3A_101 = arith.constant -1.000000e+00 : f32
      %broadcast_in_dim3A_102 = vector.broadcast %jit3A_101 : f32 to vector<128x576xf32>
      %select_n3A_103 = arith.select %eq3A_100, %broadcast_in_dim3A_102, %select_n3A_87 : vector<128x576xi1>, vector<128x576xf32>
      %reduce_max3A_104 = arith.constant dense<0xFF800000> : vector<128xf32>
      %reduce_max3A_105 = vector.multi_reduction <maximumf>, %select_n3A_103, %reduce_max3A_104 [1] : vector<128x576xf32> to vector<128xf32>
      %broadcast_in_dim3A_106 = vector.shape_cast %reduce_max3A_105 : vector<128xf32> to vector<128x1xf32>
      %eq3A_107 = vector.broadcast %broadcast_in_dim3A_106 : vector<128x1xf32> to vector<128x576xf32>
      %eq3A_108 = arith.cmpf oeq, %select_n3A_103, %eq3A_107 : vector<128x576xf32>
      %jit3A_109 = arith.constant 1073741824 : i32
      %broadcast_in_dim3A_110 = vector.broadcast %jit3A_109 : i32 to vector<128x576xi32>
      %select_n3A_111 = arith.select %eq3A_108, %iota3A, %broadcast_in_dim3A_110 : vector<128x576xi1>, vector<128x576xi32>
      %reduce_min3A_112 = arith.constant dense<2147483647> : vector<128xi32>
      %reduce_min3A_113 = vector.multi_reduction <minsi>, %select_n3A_111, %reduce_min3A_112 [1] : vector<128x576xi32> to vector<128xi32>
      %broadcast_in_dim3A_114 = vector.shape_cast %reduce_min3A_113 : vector<128xi32> to vector<128x1xi32>
      %eq3A_115 = vector.broadcast %broadcast_in_dim3A_114 : vector<128x1xi32> to vector<128x576xi32>
      %eq3A_116 = arith.cmpi eq, %iota3A, %eq3A_115 : vector<128x576xi32>
      %jit3A_117 = arith.constant -1.000000e+00 : f32
      %broadcast_in_dim3A_118 = vector.broadcast %jit3A_117 : f32 to vector<128x576xf32>
      %select_n3A_119 = arith.select %eq3A_116, %broadcast_in_dim3A_118, %select_n3A_103 : vector<128x576xi1>, vector<128x576xf32>
      %reduce_max3A_120 = arith.constant dense<0xFF800000> : vector<128xf32>
      %reduce_max3A_121 = vector.multi_reduction <maximumf>, %select_n3A_119, %reduce_max3A_120 [1] : vector<128x576xf32> to vector<128xf32>
      %broadcast_in_dim3A_122 = vector.shape_cast %reduce_max3A_121 : vector<128xf32> to vector<128x1xf32>
      %eq3A_123 = vector.broadcast %broadcast_in_dim3A_122 : vector<128x1xf32> to vector<128x576xf32>
      %eq3A_124 = arith.cmpf oeq, %select_n3A_119, %eq3A_123 : vector<128x576xf32>
      %jit3A_125 = arith.constant 1073741824 : i32
      %broadcast_in_dim3A_126 = vector.broadcast %jit3A_125 : i32 to vector<128x576xi32>
      %select_n3A_127 = arith.select %eq3A_124, %iota3A, %broadcast_in_dim3A_126 : vector<128x576xi1>, vector<128x576xi32>
      %reduce_min3A_128 = arith.constant dense<2147483647> : vector<128xi32>
      %reduce_min3A_129 = vector.multi_reduction <minsi>, %select_n3A_127, %reduce_min3A_128 [1] : vector<128x576xi32> to vector<128xi32>
      %broadcast_in_dim3A_130 = vector.shape_cast %reduce_min3A_129 : vector<128xi32> to vector<128x1xi32>
      %eq3A_131 = vector.broadcast %broadcast_in_dim3A_130 : vector<128x1xi32> to vector<128x576xi32>
      %eq3A_132 = arith.cmpi eq, %iota3A, %eq3A_131 : vector<128x576xi32>
      %jit3A_133 = arith.constant -1.000000e+00 : f32
      %broadcast_in_dim3A_134 = vector.broadcast %jit3A_133 : f32 to vector<128x576xf32>
      %select_n3A_135 = arith.select %eq3A_132, %broadcast_in_dim3A_134, %select_n3A_119 : vector<128x576xi1>, vector<128x576xf32>
      %reduce_max3A_136 = arith.constant dense<0xFF800000> : vector<128xf32>
      %reduce_max3A_137 = vector.multi_reduction <maximumf>, %select_n3A_135, %reduce_max3A_136 [1] : vector<128x576xf32> to vector<128xf32>
      %broadcast_in_dim3A_138 = vector.shape_cast %reduce_max3A_137 : vector<128xf32> to vector<128x1xf32>
      %eq3A_139 = vector.broadcast %broadcast_in_dim3A_138 : vector<128x1xf32> to vector<128x576xf32>
      %eq3A_140 = arith.cmpf oeq, %select_n3A_135, %eq3A_139 : vector<128x576xf32>
      %jit3A_141 = arith.constant 1073741824 : i32
      %broadcast_in_dim3A_142 = vector.broadcast %jit3A_141 : i32 to vector<128x576xi32>
      %select_n3A_143 = arith.select %eq3A_140, %iota3A, %broadcast_in_dim3A_142 : vector<128x576xi1>, vector<128x576xi32>
      %reduce_min3A_144 = arith.constant dense<2147483647> : vector<128xi32>
      %reduce_min3A_145 = vector.multi_reduction <minsi>, %select_n3A_143, %reduce_min3A_144 [1] : vector<128x576xi32> to vector<128xi32>
      %broadcast_in_dim3A_146 = vector.shape_cast %reduce_min3A_145 : vector<128xi32> to vector<128x1xi32>
      %eq3A_147 = vector.broadcast %broadcast_in_dim3A_146 : vector<128x1xi32> to vector<128x576xi32>
      %eq3A_148 = arith.cmpi eq, %iota3A, %eq3A_147 : vector<128x576xi32>
      %jit3A_149 = arith.constant -1.000000e+00 : f32
      %broadcast_in_dim3A_150 = vector.broadcast %jit3A_149 : f32 to vector<128x576xf32>
      %select_n3A_151 = arith.select %eq3A_148, %broadcast_in_dim3A_150, %select_n3A_135 : vector<128x576xi1>, vector<128x576xf32>
      %reduce_max3A_152 = arith.constant dense<0xFF800000> : vector<128xf32>
      %reduce_max3A_153 = vector.multi_reduction <maximumf>, %select_n3A_151, %reduce_max3A_152 [1] : vector<128x576xf32> to vector<128xf32>
      %broadcast_in_dim3A_154 = vector.shape_cast %reduce_max3A_153 : vector<128xf32> to vector<128x1xf32>
      %eq3A_155 = vector.broadcast %broadcast_in_dim3A_154 : vector<128x1xf32> to vector<128x576xf32>
      %eq3A_156 = arith.cmpf oeq, %select_n3A_151, %eq3A_155 : vector<128x576xf32>
      %jit3A_157 = arith.constant 1073741824 : i32
      %broadcast_in_dim3A_158 = vector.broadcast %jit3A_157 : i32 to vector<128x576xi32>
      %select_n3A_159 = arith.select %eq3A_156, %iota3A, %broadcast_in_dim3A_158 : vector<128x576xi1>, vector<128x576xi32>
      %reduce_min3A_160 = arith.constant dense<2147483647> : vector<128xi32>
      %reduce_min3A_161 = vector.multi_reduction <minsi>, %select_n3A_159, %reduce_min3A_160 [1] : vector<128x576xi32> to vector<128xi32>
      %broadcast_in_dim3A_162 = vector.shape_cast %reduce_min3A_161 : vector<128xi32> to vector<128x1xi32>
      %eq3A_163 = vector.broadcast %broadcast_in_dim3A_162 : vector<128x1xi32> to vector<128x576xi32>
      %eq3A_164 = arith.cmpi eq, %iota3A, %eq3A_163 : vector<128x576xi32>
      %jit3A_165 = arith.constant -1.000000e+00 : f32
      %broadcast_in_dim3A_166 = vector.broadcast %jit3A_165 : f32 to vector<128x576xf32>
      %select_n3A_167 = arith.select %eq3A_164, %broadcast_in_dim3A_166, %select_n3A_151 : vector<128x576xi1>, vector<128x576xf32>
      %reduce_max3A_168 = arith.constant dense<0xFF800000> : vector<128xf32>
      %reduce_max3A_169 = vector.multi_reduction <maximumf>, %select_n3A_167, %reduce_max3A_168 [1] : vector<128x576xf32> to vector<128xf32>
      %broadcast_in_dim3A_170 = vector.shape_cast %reduce_max3A_169 : vector<128xf32> to vector<128x1xf32>
      %eq3A_171 = vector.broadcast %broadcast_in_dim3A_170 : vector<128x1xf32> to vector<128x576xf32>
      %eq3A_172 = arith.cmpf oeq, %select_n3A_167, %eq3A_171 : vector<128x576xf32>
      %jit3A_173 = arith.constant 1073741824 : i32
      %broadcast_in_dim3A_174 = vector.broadcast %jit3A_173 : i32 to vector<128x576xi32>
      %select_n3A_175 = arith.select %eq3A_172, %iota3A, %broadcast_in_dim3A_174 : vector<128x576xi1>, vector<128x576xi32>
      %reduce_min3A_176 = arith.constant dense<2147483647> : vector<128xi32>
      %reduce_min3A_177 = vector.multi_reduction <minsi>, %select_n3A_175, %reduce_min3A_176 [1] : vector<128x576xi32> to vector<128xi32>
      %broadcast_in_dim3A_178 = vector.shape_cast %reduce_min3A_177 : vector<128xi32> to vector<128x1xi32>
      %eq3A_179 = vector.broadcast %broadcast_in_dim3A_178 : vector<128x1xi32> to vector<128x576xi32>
      %eq3A_180 = arith.cmpi eq, %iota3A, %eq3A_179 : vector<128x576xi32>
      %jit3A_181 = arith.constant -1.000000e+00 : f32
      %broadcast_in_dim3A_182 = vector.broadcast %jit3A_181 : f32 to vector<128x576xf32>
      %select_n3A_183 = arith.select %eq3A_180, %broadcast_in_dim3A_182, %select_n3A_167 : vector<128x576xi1>, vector<128x576xf32>
      %reduce_max3A_184 = arith.constant dense<0xFF800000> : vector<128xf32>
      %reduce_max3A_185 = vector.multi_reduction <maximumf>, %select_n3A_183, %reduce_max3A_184 [1] : vector<128x576xf32> to vector<128xf32>
      %broadcast_in_dim3A_186 = vector.shape_cast %reduce_max3A_185 : vector<128xf32> to vector<128x1xf32>
      %eq3A_187 = vector.broadcast %broadcast_in_dim3A_186 : vector<128x1xf32> to vector<128x576xf32>
      %eq3A_188 = arith.cmpf oeq, %select_n3A_183, %eq3A_187 : vector<128x576xf32>
      %jit3A_189 = arith.constant 1073741824 : i32
      %broadcast_in_dim3A_190 = vector.broadcast %jit3A_189 : i32 to vector<128x576xi32>
      %select_n3A_191 = arith.select %eq3A_188, %iota3A, %broadcast_in_dim3A_190 : vector<128x576xi1>, vector<128x576xi32>
      %reduce_min3A_192 = arith.constant dense<2147483647> : vector<128xi32>
      %reduce_min3A_193 = vector.multi_reduction <minsi>, %select_n3A_191, %reduce_min3A_192 [1] : vector<128x576xi32> to vector<128xi32>
      %broadcast_in_dim3A_194 = vector.shape_cast %reduce_min3A_193 : vector<128xi32> to vector<128x1xi32>
      %eq3A_195 = vector.broadcast %broadcast_in_dim3A_194 : vector<128x1xi32> to vector<128x576xi32>
      %eq3A_196 = arith.cmpi eq, %iota3A, %eq3A_195 : vector<128x576xi32>
      %jit3A_197 = arith.constant -1.000000e+00 : f32
      %broadcast_in_dim3A_198 = vector.broadcast %jit3A_197 : f32 to vector<128x576xf32>
      %select_n3A_199 = arith.select %eq3A_196, %broadcast_in_dim3A_198, %select_n3A_183 : vector<128x576xi1>, vector<128x576xf32>
      %reduce_max3A_200 = arith.constant dense<0xFF800000> : vector<128xf32>
      %reduce_max3A_201 = vector.multi_reduction <maximumf>, %select_n3A_199, %reduce_max3A_200 [1] : vector<128x576xf32> to vector<128xf32>
      %broadcast_in_dim3A_202 = vector.shape_cast %reduce_max3A_201 : vector<128xf32> to vector<128x1xf32>
      %eq3A_203 = vector.broadcast %broadcast_in_dim3A_202 : vector<128x1xf32> to vector<128x576xf32>
      %eq3A_204 = arith.cmpf oeq, %select_n3A_199, %eq3A_203 : vector<128x576xf32>
      %jit3A_205 = arith.constant 1073741824 : i32
      %broadcast_in_dim3A_206 = vector.broadcast %jit3A_205 : i32 to vector<128x576xi32>
      %select_n3A_207 = arith.select %eq3A_204, %iota3A, %broadcast_in_dim3A_206 : vector<128x576xi1>, vector<128x576xi32>
      %reduce_min3A_208 = arith.constant dense<2147483647> : vector<128xi32>
      %reduce_min3A_209 = vector.multi_reduction <minsi>, %select_n3A_207, %reduce_min3A_208 [1] : vector<128x576xi32> to vector<128xi32>
      %broadcast_in_dim3A_210 = vector.shape_cast %reduce_min3A_209 : vector<128xi32> to vector<128x1xi32>
      %eq3A_211 = vector.broadcast %broadcast_in_dim3A_210 : vector<128x1xi32> to vector<128x576xi32>
      %eq3A_212 = arith.cmpi eq, %iota3A, %eq3A_211 : vector<128x576xi32>
      %jit3A_213 = arith.constant -1.000000e+00 : f32
      %broadcast_in_dim3A_214 = vector.broadcast %jit3A_213 : f32 to vector<128x576xf32>
      %select_n3A_215 = arith.select %eq3A_212, %broadcast_in_dim3A_214, %select_n3A_199 : vector<128x576xi1>, vector<128x576xf32>
      %reduce_max3A_216 = arith.constant dense<0xFF800000> : vector<128xf32>
      %reduce_max3A_217 = vector.multi_reduction <maximumf>, %select_n3A_215, %reduce_max3A_216 [1] : vector<128x576xf32> to vector<128xf32>
      %broadcast_in_dim3A_218 = vector.shape_cast %reduce_max3A_217 : vector<128xf32> to vector<128x1xf32>
      %eq3A_219 = vector.broadcast %broadcast_in_dim3A_218 : vector<128x1xf32> to vector<128x576xf32>
      %eq3A_220 = arith.cmpf oeq, %select_n3A_215, %eq3A_219 : vector<128x576xf32>
      %jit3A_221 = arith.constant 1073741824 : i32
      %broadcast_in_dim3A_222 = vector.broadcast %jit3A_221 : i32 to vector<128x576xi32>
      %select_n3A_223 = arith.select %eq3A_220, %iota3A, %broadcast_in_dim3A_222 : vector<128x576xi1>, vector<128x576xi32>
      %reduce_min3A_224 = arith.constant dense<2147483647> : vector<128xi32>
      %reduce_min3A_225 = vector.multi_reduction <minsi>, %select_n3A_223, %reduce_min3A_224 [1] : vector<128x576xi32> to vector<128xi32>
      %broadcast_in_dim3A_226 = vector.shape_cast %reduce_min3A_225 : vector<128xi32> to vector<128x1xi32>
      %eq3A_227 = vector.broadcast %broadcast_in_dim3A_226 : vector<128x1xi32> to vector<128x576xi32>
      %eq3A_228 = arith.cmpi eq, %iota3A, %eq3A_227 : vector<128x576xi32>
      %jit3A_229 = arith.constant -1.000000e+00 : f32
      %broadcast_in_dim3A_230 = vector.broadcast %jit3A_229 : f32 to vector<128x576xf32>
      %select_n3A_231 = arith.select %eq3A_228, %broadcast_in_dim3A_230, %select_n3A_215 : vector<128x576xi1>, vector<128x576xf32>
      %reduce_max3A_232 = arith.constant dense<0xFF800000> : vector<128xf32>
      %reduce_max3A_233 = vector.multi_reduction <maximumf>, %select_n3A_231, %reduce_max3A_232 [1] : vector<128x576xf32> to vector<128xf32>
      %broadcast_in_dim3A_234 = vector.shape_cast %reduce_max3A_233 : vector<128xf32> to vector<128x1xf32>
      %eq3A_235 = vector.broadcast %broadcast_in_dim3A_234 : vector<128x1xf32> to vector<128x576xf32>
      %eq3A_236 = arith.cmpf oeq, %select_n3A_231, %eq3A_235 : vector<128x576xf32>
      %jit3A_237 = arith.constant 1073741824 : i32
      %broadcast_in_dim3A_238 = vector.broadcast %jit3A_237 : i32 to vector<128x576xi32>
      %select_n3A_239 = arith.select %eq3A_236, %iota3A, %broadcast_in_dim3A_238 : vector<128x576xi1>, vector<128x576xi32>
      %reduce_min3A_240 = arith.constant dense<2147483647> : vector<128xi32>
      %reduce_min3A_241 = vector.multi_reduction <minsi>, %select_n3A_239, %reduce_min3A_240 [1] : vector<128x576xi32> to vector<128xi32>
      %broadcast_in_dim3A_242 = vector.shape_cast %reduce_min3A_241 : vector<128xi32> to vector<128x1xi32>
      %eq3A_243 = vector.broadcast %broadcast_in_dim3A_242 : vector<128x1xi32> to vector<128x576xi32>
      %eq3A_244 = arith.cmpi eq, %iota3A, %eq3A_243 : vector<128x576xi32>
      %jit3A_245 = arith.constant -1.000000e+00 : f32
      %broadcast_in_dim3A_246 = vector.broadcast %jit3A_245 : f32 to vector<128x576xf32>
      %select_n3A_247 = arith.select %eq3A_244, %broadcast_in_dim3A_246, %select_n3A_231 : vector<128x576xi1>, vector<128x576xf32>
      %reduce_max3A_248 = arith.constant dense<0xFF800000> : vector<128xf32>
      %reduce_max3A_249 = vector.multi_reduction <maximumf>, %select_n3A_247, %reduce_max3A_248 [1] : vector<128x576xf32> to vector<128xf32>
      %broadcast_in_dim3A_250 = vector.shape_cast %reduce_max3A_249 : vector<128xf32> to vector<128x1xf32>
      %eq3A_251 = vector.broadcast %broadcast_in_dim3A_250 : vector<128x1xf32> to vector<128x576xf32>
      %eq3A_252 = arith.cmpf oeq, %select_n3A_247, %eq3A_251 : vector<128x576xf32>
      %jit3A_253 = arith.constant 1073741824 : i32
      %broadcast_in_dim3A_254 = vector.broadcast %jit3A_253 : i32 to vector<128x576xi32>
      %select_n3A_255 = arith.select %eq3A_252, %iota3A, %broadcast_in_dim3A_254 : vector<128x576xi1>, vector<128x576xi32>
      %reduce_min3A_256 = arith.constant dense<2147483647> : vector<128xi32>
      %reduce_min3A_257 = vector.multi_reduction <minsi>, %select_n3A_255, %reduce_min3A_256 [1] : vector<128x576xi32> to vector<128xi32>
      %broadcast_in_dim3A_258 = vector.shape_cast %reduce_min3A_257 : vector<128xi32> to vector<128x1xi32>
      %concatenate3A = tpu.concatenate %broadcast_in_dim3A_18, %broadcast_in_dim3A_34, %broadcast_in_dim3A_50, %broadcast_in_dim3A_66, %broadcast_in_dim3A_82, %broadcast_in_dim3A_98, %broadcast_in_dim3A_114, %broadcast_in_dim3A_130, %broadcast_in_dim3A_146, %broadcast_in_dim3A_162, %broadcast_in_dim3A_178, %broadcast_in_dim3A_194, %broadcast_in_dim3A_210, %broadcast_in_dim3A_226, %broadcast_in_dim3A_242, %broadcast_in_dim3A_258 in 1 : vector<128x1xi32>, vector<128x1xi32>, vector<128x1xi32>, vector<128x1xi32>, vector<128x1xi32>, vector<128x1xi32>, vector<128x1xi32>, vector<128x1xi32>, vector<128x1xi32>, vector<128x1xi32>, vector<128x1xi32>, vector<128x1xi32>, vector<128x1xi32>, vector<128x1xi32>, vector<128x1xi32>, vector<128x1xi32> -> vector<128x16xi32>
      %iota3A_259 = tpu.iota {dimensions = array<i32: 0>} : vector<128x16xi32>
      %add3A = arith.constant 0 : i32
      %add3A_260 = vector.broadcast %add3A : i32 to vector<128x16xi32>
      %add3A_261 = arith.addi %add3A_260, %iota3A_259 : vector<128x16xi32>
      %mul3A_262 = arith.constant 576 : i32
      %mul3A_263 = vector.broadcast %mul3A_262 : i32 to vector<128x16xi32>
      %mul3A_264 = arith.muli %add3A_261, %mul3A_263 : vector<128x16xi32>
      %add3A_265 = arith.addi %mul3A_264, %concatenate3A : vector<128x16xi32>
      %swap3A_266 = arith.constant 0 : index
      %swap3A_267 = arith.constant 0 : index
      %swap3A_268 = vector.load %arg2[%swap3A_266, %swap3A_267] : memref<128x16xi32, #tpu.memory_space<vmem>>, vector<128x16xi32>
      tpu.vector_store %arg2[%swap3A_266, %swap3A_267], %add3A_265 {strides = array<i32>} : memref<128x16xi32, #tpu.memory_space<vmem>>, vector<128x16xi32>,
    } else {
    }
    return
  }
  func.func @transform_0(%arg0: i32) -> (i32, i32, i32) {
    %c0_i32 = arith.constant 0 : i32
    %c0_i32_0 = arith.constant 0 : i32
    %c0_i32_1 = arith.constant 0 : i32
    return %arg0, %c0_i32, %c0_i32_0 : i32, i32, i32
  }
  func.func @transform_1(%arg0: i32) -> (i32, i32) {
    %c0_i32 = arith.constant 0 : i32
    %c0_i32_0 = arith.constant 0 : i32
    %c0_i32_1 = arith.constant 0 : i32
    return %c0_i32, %c0_i32_0 : i32, i32
  }
}

</mosaic_0001>

<sc_bundles>
// kernel: kernel.5.cloned.1.call-start
scs
__scs_entry_jumppad:
0x0: {  	(pc) =	sbr.rel $0x88, $3  }
0x1: {  	(tag) =	ssettag $0x0;
	lr =	simm.s32 $0x1  }
0x2: {  	[smem:$0x3F9D] =	sst lr;
	_ =	strace $0xD0000000  }
0x3: {  	_ = 	snop  }
0x4: {  	_ = 	snop  }
0x5: {  	_ = 	snop  }
0x6: {  	_ = 	snop  }
0x7: {  	_ = 	snop  }
__scs_overlays_trampoline_lowered:
0x8: {  	[smem:$0x3FAC] =	sst s0  }
0x9: {  	[smem:$0x3FAD] =	sst s1  }
0xa: {  	[smem:$0x3FAE] =	sst s2  }
0xb: {  	[smem:$0x3FAF] =	sst s3  }
0xc: {  	[smem:$0x3FB0] =	sst s4  }
0xd: {  	[smem:$0x3FB1] =	sst s5  }
0xe: {  	[smem:$0x3FB2] =	sst s6  }
0xf: {  	[smem:$0x3FB3] =	sst s7  }
0x10: {  	[smem:$0x3FB4] =	sst s8  }
0x11: {  	[smem:$0x3FB5] =	sst s9;
	s0 =	simm.s32 @!p0 $0x0  }
0x12: {  	s1 =	sld [smem:$0x3F9B];
	s0 =	simm.s32 @p0 $0x1  }
0x13: {  	[smem:$0x3FB6] =	sst s0;
	s0 =	simm.s32 @!p1 $0x0  }
0x14: {  	s2 =	sld [smem:$0x3F9A];
	s0 =	simm.s32 @p1 $0x1  }
0x15: {  	[smem:$0x3FB7] =	sst s0;
	s0 =	simm.s32 @!p2 $0x0  }
0x16: {  	s3 =	sld [smem:$0x3FDB];
	s0 =	simm.s32 @p2 $0x1  }
0x17: {  	s4 =	simm.s32 $0x1BF5;
	[smem:$0x3FB9] =	sst s0  }
0x18: {  	s0 =	sld [smem:$0x3F9C];
	_ =	swait.ge [sflag:s4], $0x0  }
0x19: {  	s7 =	sld [smem:$0x3F9D]  }
0x1a: {  	s8 =	sadd.s32 $0xFFFFE003, lr  }
0x1b: {  	s9 =	sadd.s32 $0xFFFFFEF7, lr;
	s5 =	simm.s32 $0xFFFFFFFF;
	p2 =	slt.u32 s8, $0xFFFFF086  }
0x1c: {  	p1 =	slt.u32 s9, $0xF7A;
	s5 =	simm.s32 @!p2 $0x0  }
0x1d: {  	s5 =	simm.s32 @p1 $0x1;
	p0 =	seq.s32 s7, s2  }
0x1e: {  	s7 =	smul.u32 @!p0 $0xF7A, s2;
	p2 =	seq.s32 @!p0 s5, $0x0  }
0x1f: {  	s9 =	smul.u32 $0xF7A, s1;
	s8 =	simm.s32 @!p0 $0x1BF5;
	p2 =	por !p2, p0  }
0x20: {  	[sflag:s8] =	ssyncset.s32 @!p0 $0xFFFFF086;
	s6 =	sadd.s32 @!p0 s3, s7;
	s7 =	simm.s32 @!p0 $0x108  }
0x21: {  	s3 =	sadd.s32 s3, s9;
	s6 =	sadd.s32 @!p0 $0x88, s6;
	s7 =	simm.s32 @p2 $0x1082  }
0x22: {  	[simem:s7], [sflag:s8] =	dma.local @!p0 [hbm:s6], $0xF7A  }
0x23: {  	s9 =	sor.u32 $0xD0000000, s2;
	s6 =	simm.s32 $0x108;
	_ =	swait.ge @!p0 [sflag:s8], $0x0  }
0x24: {  	s3 =	sadd.s32 $0x88, s3;
	s6 =	simm.s32 @!p1 $0x1082;
	[sflag:s4] =	ssyncset.s32 $0xFFFFF086  }
0x25: {  	[simem:s6], [sflag:s4] =	dma.local [hbm:s3], $0xF7A  }
0x26: {  	[smem:$0x3F9D] =	sst s1;
	(tag) =	ssettag s2;
	_ =	strace s9  }
0x27: {  	s1 =	sld [smem:$0x3FAD]  }
0x28: {  	s2 =	sld [smem:$0x3FAE]  }
0x29: {  	s4 =	sld [smem:$0x3FB0]  }
0x2a: {  	p0 =	seq.s32 s5, $0x0;
	s5 =	sld [smem:$0x3FB1]  }
0x2b: {  	s6 =	sld [smem:$0x3FB2]  }
0x2c: {  	s7 =	sld [smem:$0x3FB3]  }
0x2d: {  	s3 =	simm.s32 $0x108;
	s8 =	sld [smem:$0x3FB4]  }
0x2e: {  	s3 =	simm.s32 @!p0 $0x1082;
	s9 =	sld [smem:$0x3FB5]  }
0x2f: {  	lr =	sadd.s32 s0, s3;
	s0 =	sld [smem:$0x3FAC]  }
0x30: {  	s3 =	sld [smem:$0x3FAF]  }
0x31: {  	[smem:$0x3FB8] =	sst s10  }
0x32: {  	s10 =	sld [smem:$0x3FB6];
	_ =	sdelay $0x3  }
0x33: {  	p0 =	seq.s32 s10, $0x1;
	s10 =	sld [smem:$0x3FB8];
	_ =	sdelay $0x3  }
0x34: {  	[smem:$0x3FB8] =	sst s10  }
0x35: {  	s10 =	sld [smem:$0x3FB7];
	_ =	sdelay $0x3  }
0x36: {  	p1 =	seq.s32 s10, $0x1;
	s10 =	sld [smem:$0x3FB8];
	_ =	sdelay $0x3  }
0x37: {  	[smem:$0x3FB8] =	sst s10  }
0x38: {  	s10 =	sld [smem:$0x3FB9]  }
0x39: {  	_ = 	snop;
	(pc) =	sbr.ind lr, $3  }
0x3a: {  	_ = 	snop  }
0x3b: {  	_ = 	snop  }
0x3c: {  	p2 =	seq.s32 s10, $0x1;
	s10 =	sld [smem:$0x3FB8]  }
0x3d: {  	_ =	shalt  }
0x3e: {  	_ =	shalt  }
0x3f: {  	_ =	shalt  }
0x40: {  	_ =	shalt  }
0x41: {  	_ =	shalt  }
0x42: {  	_ =	shalt  }
0x43: {  	_ =	shalt  }
0x44: {  	_ =	shalt  }
0x45: {  	_ =	shalt  }
0x46: {  	_ =	shalt  }
0x47: {  	_ =	shalt  }
0x48: {  	_ =	shalt  }
0x49: {  	_ =	shalt  }
0x4a: {  	_ =	shalt  }
0x4b: {  	_ =	shalt  }
0x4c: {  	_ =	shalt  }
0x4d: {  	_ =	shalt  }
0x4e: {  	_ =	shalt  }
0x4f: {  	_ =	shalt  }
0x50: {  	_ =	shalt  }
0x51: {  	_ =	shalt  }
0x52: {  	_ =	shalt  }
0x53: {  	_ =	shalt  }
0x54: {  	_ =	shalt  }
0x55: {  	_ =	shalt  }
0x56: {  	_ =	shalt  }
0x57: {  	_ =	shalt  }
0x58: {  	_ =	shalt  }
0x59: {  	_ =	shalt  }
0x5a: {  	_ =	shalt  }
0x5b: {  	_ =	shalt  }
0x5c: {  	_ =	shalt  }
0x5d: {  	_ =	shalt  }
0x5e: {  	_ =	shalt  }
0x5f: {  	_ =	shalt  }
0x60: {  	_ =	shalt  }
0x61: {  	_ =	shalt  }
0x62: {  	_ =	shalt  }
0x63: {  	_ =	shalt  }
0x64: {  	_ =	shalt  }
0x65: {  	_ =	shalt  }
0x66: {  	_ =	shalt  }
0x67: {  	_ =	shalt  }
0x68: {  	_ =	shalt  }
0x69: {  	_ =	shalt  }
0x6a: {  	_ =	shalt  }
0x6b: {  	_ =	shalt  }
0x6c: {  	_ =	shalt  }
0x6d: {  	_ =	shalt  }
0x6e: {  	_ =	shalt  }
0x6f: {  	_ =	shalt  }
0x70: {  	_ =	shalt  }
0x71: {  	_ =	shalt  }
0x72: {  	_ =	shalt  }
0x73: {  	_ =	shalt  }
0x74: {  	_ =	shalt  }
0x75: {  	_ =	shalt  }
0x76: {  	_ =	shalt  }
0x77: {  	_ =	shalt  }
0x78: {  	_ =	shalt  }
0x79: {  	_ =	shalt  }
0x7a: {  	_ =	shalt  }
0x7b: {  	_ =	shalt  }
0x7c: {  	_ =	shalt  }
0x7d: {  	_ =	shalt  }
0x7e: {  	_ =	shalt  }
0x7f: {  	_ =	shalt  }
0x80: {  	_ =	shalt  }
0x81: {  	_ =	shalt  }
0x82: {  	_ =	shalt  }
0x83: {  	_ =	shalt  }
0x84: {  	_ =	shalt  }
0x85: {  	_ =	shalt  }
0x86: {  	_ =	shalt  }
0x87: {  	_ =	shalt  }
.Lfunc_end0:
.L_simem_size_0:
called_computation_lowered:
.L_overlay_start_0:
0x88: {  	s2 =	sld [smem:$0x3FD9]  }
0x89: {  	s3 =	sld [smem:$0x3FFE];
	_ =	sdelay $0x1  }
0x8a: {  	s1 =	srdreg.scid  }
0x8b: {  	s0 =	sand.u32 $0x1, s1  }
0x8c: {  	s17 =	sshll.u32 s0, $0xA;
	s2 =	sadd.s32 s3, s2  }
0x8d: {  	s2 =	sadd.s32 s2, s17  }
0x8e: {  	[smem:$0x3FC4] =	sst s2  }
0x8f: {  	_ = 	snop  }
0x90: {  	s2 =	sld [smem:$0x3FC8]  }
0x91: {  	s18 =	sld [smem:$0x3FD0];
	(tm) =	ssettm $0x1  }
0x92: {  	s4 =	sld [smem:$0x3FFB];
	_ =	sdelay $0x3  }
0x93: {  	_ =	strace s4  }
0x94: {  	s4 =	sld [smem:$0x3FFC];
	_ =	sdelay $0x3  }
0x95: {  	_ =	strace s4  }
0x96: {  	s4 =	sld [smem:$0x3FFD];
	_ =	sdelay $0x3  }
0x97: {  	_ =	strace s4  }
0x98: {  	_ =	strace $0x8FFFFFFF  }
0x99: {  	s19 =	sld [smem:$0x3FDB];
	_ =	sdelay $0x1  }
0x9a: {  	s5 =	simm.s32 $_scs_section_size  }
0x9b: {  	s6 =	simm.s32 $_size__tile_overlayer_lowered;
	s7 =	simm.s32 $_tile_overlayer_lowered  }
0x9c: {  	s22 =	simm.s32 $0x1BFF;
	s21 =	sshll.u32 s7, $0x1;
	s4 =	sadd.s32 s5, s19  }
0x9d: {  	s8 =	simm.s32 $0x0;
	s20 =	sshll.u32 s6, $0x1;
	s6 =	sadd.s32 s21, s4  }
0x9e: {  	[timem:s8], [sflag:s22] =	dma.local [hbm:s6], s20  }
0x9f: {  	_ =	swait.ge [sflag:s22], s20  }
0xa0: {  	s5 =	ssub.s32 $0x0, s20;
	[sflag:s22] =	ssyncset.done $0x0  }
0xa1: {  	[sflag:s22] =	ssyncadd.s32 s5;
	_ =	sdelay $0x1  }
0xa2: {  	s23 =	simm.s32 $0x1B8B  }
0xa3: {  	_ =	swait.ge [sflag:s23], $0x1  }
0xa4: {  	[sflag:s23] =	ssyncset.done $0x0  }
0xa5: {  	s25 =	simm.s32 $0x1B8E;
	s24 =	sld [smem:$0x3FFE];
	[sflag:s23] =	ssyncadd.s32 $0xFFFFFFFF  }
0xa6: {  	s26 =	simm.s32 $execute0_lowered;
	[smem:$0x3FD2] =	sst s25  }
0xa7: {  	s6 =	sshll.u32 s26, $0x1;
	_ =	strace $0x80000046;
	[dreg:$0x1] =	wrdreg $0xFFFFFFFF  }
0xa8: {  	s28 =	simm.s32 $_size_execute0_lowered;
	s4 =	sadd.s32 s4, s6;
	[dreg:$0x0] =	wrdreg $0x0  }
0xa9: {  	s6 =	sshll.u32 s28, $0x1;
	[dreg:$0x2] =	wrdreg s4  }
0xaa: {  	[dreg:$0x3] =	wrdreg s6  }
0xab: {  	[dreg:$0x4] =	wrdreg $0xC0  }
0xac: {  	_ =	task [dreg:s8], $0x5FFFF  }
0xad: {  	[dreg:$0x1] =	wrdreg $0xFFFFFFFF  }
0xae: {  	[dreg:$0x0] =	wrdreg $0x60  }
0xaf: {  	[dreg:$0x2] =	wrdreg s18  }
0xb0: {  	[dreg:$0x3] =	wrdreg s2  }
0xb1: {  	[dreg:$0x4] =	wrdreg s24  }
0xb2: {  	[dreg:$0x5] =	wrdreg $0x9  }
0xb3: {  	_ =	task.clear_ibuf [dreg:s8], $0x6FFFF;
	_ =	strace $0x90000046  }
0xb4: {  	s29 =	simm.s32 $0x9;
	_ =	strace $0x80000048  }
0xb5: {  	_ =	swait.ge [sflag:s29], $0x1  }
0xb6: {  	[sflag:s29] =	ssyncadd.s32 $0xFFFFFFFF  }
0xb7: {  	_ =	strace $0x90000048  }
0xb8: {  	_ =	sfence  }
0xb9: {  	s30 =	sld [smem:$0x0];
	_ =	sdelay $0x2  }
0xba: {  	s31 =	sshll.u32 s1, $0xD;
	s1 =	sshrl.u32 s1, $0x2  }
0xbb: {  	s3 =	sand.u32 $0x4000, s31;
	s1 =	sadd.s32 s1, s30  }
0xbc: {  	s0 =	sor.u32 s3, s0;
	s1 =	sshll.u32 s1, $0x11  }
0xbd: {  	s0 =	sor.u32 s1, s0  }
0xbe: {  	s0 =	sadd.s32 $0x8F2B, s0  }
0xbf: {  	[sflag:s0] =	ssyncadd.remote.s32 $0x1  }
0xc0: {  	_ =	sfence.sel $0xFFFF  }
0xc1: {  	[dreg:$0x0] =	wrdreg $0xFFFFFFFF;
	(pc) =	sbr.abs _section_cstart, $3  }
0xc2: {  	[dreg:$0x1] =	wrdreg $0xFFFFFFFF  }
0xc3: {  	_ =	task.clear_ibuf [dreg:s8], $0x2FFFF;
	_ =	strace $0x9FFFFFFF  }
0xc4: {  	(tm) =	ssettm $0x7FFFFFFF  }
0xc5: {  	_ =	shalt  }
tec
execute0_lowered:
.L_overlay_start_1:
0x0: {  	(tag) =	ssettag $0x1  }
0x1: {  	s1 =	rddreg [dreg:$0x0];
	s3 =	srdreg.scid  }
0x2: {  	s2 =	rddreg [dreg:$0x1];
	s0 =	stileid.u32  }
0x3: {  	s4 =	rddreg [dreg:$0x2];
	s20 =	simm.s32 $0xA00;
	s22 =	simm.s32 $0x1200  }
0x4: {  	s23 =	simm.s32 $0x1A00;
	s24 =	simm.s32 $0x2200;
	s25 =	simm.s32 $0x2A00  }
0x5: {  	s26 =	simm.s32 $0x3A00;
	s10 =	simm.s32 $0x3200;
	s12 =	simm.s32 $0x4A00  }
0x6: {  	s13 =	simm.s32 $0x5200;
	s14 =	simm.s32 $0x5A00;
	s28 =	simm.s32 $0x1  }
0x7: {  	s29 =	simm.s32 $0x2;
	s5 =	sand.u32 $0x1, s3;
	s3 =	simm.s32 $0x0  }
0x8: {  	s30 =	simm.s32 $0x3;
	s31 =	simm.s32 $0x4;
	[smem:$0x7FF] =	sst s3  }
0x9: {  	s6 =	sshll.u32 s0, $0x4;
	_ =	strace $0x80000047;
	[dreg:$0x8] =	wrdreg s20  }
0xa: {  	s9 =	sadd.s32 $0xE00, s4;
	s15 =	sshll.u32 s0, $0x7;
	[dreg:$0x9] =	wrdreg s22  }
0xb: {  	s7 =	sshll.u32 s5, $0x3;
	s8 =	sshll.u32 s5, $0x6;
	[dreg:$0xa] =	wrdreg s23  }
0xc: {  	s5 =	ssub.s32 $0x2, s5;
	s6 =	sor.u32 s7, s6;
	[dreg:$0xb] =	wrdreg s24  }
0xd: {  	s1 =	sadd.s32 s1, s8;
	s19 =	sshrl.u32 s5, $0x1;
	[dreg:$0xc] =	wrdreg s25  }
0xe: {  	s8 =	simm.s32 $0x6;
	[dreg:$0xd] =	wrdreg s26;
	s20 =	simm.s32 $0x8A00  }
0xf: {  	s22 =	simm.s32 $0x9A00;
	s23 =	simm.s32 $0xA200;
	s24 =	simm.s32 $0xAA00  }
0x10: {  	s25 =	simm.s32 $0xB200;
	s26 =	simm.s32 $0xBA00;
	s7 =	smul.u32 $0x300, s6  }
0x11: {  	s6 =	smul.u32 $0x1800, s6;
	s1 =	sadd.s32 s15, s1;
	s21 =	ssub.s32 s5, s19  }
0x12: {  	s5 =	sadd.s32 $0x100, s2;
	s15 =	simm.s32 $0x6200;
	s19 =	simm.s32 $0x8200  }
0x13: {  	[dreg:$0x4] =	wrdreg s1;
	s1 =	simm.s32 $0x5;
	s4 =	sadd.s32 s9, s7  }
0x14: {  	s6 =	sshrl.u32 s6, $0x3;
	s7 =	smax.u32 s21, $0x1;
	s21 =	simm.s32 $0x9200  }
0x15: {  	s16 =	sadd.s32 $0x600, s4;
	s6 =	sadd.s32 s9, s6;
	s9 =	simm.s32 $0x200  }
0x16: {  	v2 =	vlaneseq.u32;
	[dreg:$0x5] =	wrdreg s16;
	s17 =	sadd.s32 $0xC00, s6;
	s18 =	sadd.s32 $0x1200, s6  }
0x17: {  	vm0 =	vmmov $0xffff;
	v1 =	vshrl.u32 v2, $0x3;
	s6 =	sadd.s32 $0x200, s2;
	s16 =	simm.s32 $0x6A00;
	[dreg:$0x6] =	wrdreg s17  }
0x18: {  	v0 =	vand.u32 $0x7, v2;
	v2 =	vor.u32 $0x8, v2;
	v1 =	vmul.u32 $0x8, v1;
	[dreg:$0x7] =	wrdreg s18;
	s17 =	simm.s32 $0x7200;
	s18 =	simm.s32 $0x7A00  }
.LBB2_1:
0x19: {  	s0 =	rddreg [dreg:$0x4]  }
0x1a: {  	[tilespmem:s3], [sflag:$0x6] =	stream.linear.gather [hbm4b:s0+s3], $0x200, $0x38;
	[tilespmem:$0xC200] =	vst v63  }
0x1b: {  	_ =	swait.ge [sflag:s8], $0x200  }
0x1c: {  	[sflag:s8] =	ssyncset.done $0x0  }
0x1d: {  	[sflag:s8] =	ssyncadd.s32 $0xFFFFFE00  }
0x1e: {  	v3 =	vld [tilespmem:$0x0];
	_ =	sdelay $0x4  }
0x1f: {  	v4 =	vshrl.u32 v3, $0x3  }
0x20: {  	v4 =	vmul.u32 $0x30, v4  }
0x21: {  	v3 =	vand.u32 $0x7, v3  }
0x22: {  	v3 =	vor.u32 v3, v4  }
0x23: {  	v4 =	vperm.xlane v3, v0;
	_ =	sdelay $0x1  }
0x24: {  	v4 =	vadd.s32 v1, v4;
	_ =	sdelay $0x3  }
0x25: {  	v3 =	vperm.xlane v3, v2  }
0x26: {  	[tilespmem:s9], [sflag:$0x1] =	stream.indirect_vreg.gather [hbm4b:s2+s3], $0x80, v4, vm0, $0xb8;
	[tilespmem:$0xC200] =	vst v63  }
0x27: {  	s0 =	rddreg [dreg:$0x8];
	v3 =	vadd.s32 v1, v3  }
0x28: {  	[tilespmem:s0], [sflag:$0x1] =	stream.indirect_vreg.gather [hbm4b:s5+s3], $0x80, v4, vm0, $0xb8;
	[tilespmem:$0xC200] =	vst v63  }
0x29: {  	s11 =	rddreg [dreg:$0x9]  }
0x2a: {  	[tilespmem:s11], [sflag:$0x1] =	stream.indirect_vreg.gather [hbm4b:s6+s3], $0x80, v4, vm0, $0xb8;
	[tilespmem:$0xC200] =	vst v63  }
0x2b: {  	s0 =	rddreg [dreg:$0xa]  }
0x2c: {  	[tilespmem:s0], [sflag:$0x1] =	stream.indirect_vreg.gather [hbm4b:s2+s3], $0x80, v3, vm0, $0xb8;
	[tilespmem:$0xC200] =	vst v63  }
0x2d: {  	s11 =	rddreg [dreg:$0xb]  }
0x2e: {  	[tilespmem:s11], [sflag:$0x1] =	stream.indirect_vreg.gather [hbm4b:s5+s3], $0x80, v3, vm0, $0xb8;
	[tilespmem:$0xC200] =	vst v63  }
0x2f: {  	s0 =	rddreg [dreg:$0xc]  }
0x30: {  	[tilespmem:s0], [sflag:$0x1] =	stream.indirect_vreg.gather [hbm4b:s6+s3], $0x80, v3, vm0, $0xb8;
	[tilespmem:$0xC200] =	vst v63  }
0x31: {  	v3 =	vld [tilespmem:$0x80];
	_ =	sdelay $0x4  }
0x32: {  	v61 =	vshrl.u32 v3, $0x3  }
0x33: {  	v4 =	vmul.u32 $0x30, v61  }
0x34: {  	v3 =	vand.u32 $0x7, v3  }
0x35: {  	v3 =	vor.u32 v3, v4  }
0x36: {  	v4 =	vperm.xlane v3, v0;
	_ =	sdelay $0x1  }
0x37: {  	v4 =	vadd.s32 v1, v4;
	_ =	sdelay $0x3  }
0x38: {  	v3 =	vperm.xlane v3, v2  }
0x39: {  	[tilespmem:s10], [sflag:$0x2] =	stream.indirect_vreg.gather [hbm4b:s2+s3], $0x80, v4, vm0, $0xb8;
	[tilespmem:$0xC200] =	vst v63  }
0x3a: {  	s11 =	rddreg [dreg:$0xd];
	v3 =	vadd.s32 v1, v3  }
0x3b: {  	[tilespmem:s11], [sflag:$0x2] =	stream.indirect_vreg.gather [hbm4b:s5+s3], $0x80, v4, vm0, $0xb8;
	[tilespmem:$0xC200] =	vst v63  }
0x3c: {  	s11 =	simm.s32 $0x4200  }
0x3d: {  	[tilespmem:s11], [sflag:$0x2] =	stream.indirect_vreg.gather [hbm4b:s6+s3], $0x80, v4, vm0, $0xb8;
	[tilespmem:$0xC200] =	vst v63  }
0x3e: {  	_ = 	snop  }
0x3f: {  	[tilespmem:s12], [sflag:$0x2] =	stream.indirect_vreg.gather [hbm4b:s2+s3], $0x80, v3, vm0, $0xb8;
	[tilespmem:$0xC200] =	vst v63  }
0x40: {  	_ = 	snop  }
0x41: {  	[tilespmem:s13], [sflag:$0x2] =	stream.indirect_vreg.gather [hbm4b:s5+s3], $0x80, v3, vm0, $0xb8;
	[tilespmem:$0xC200] =	vst v63  }
0x42: {  	_ = 	snop  }
0x43: {  	[tilespmem:s14], [sflag:$0x2] =	stream.indirect_vreg.gather [hbm4b:s6+s3], $0x80, v3, vm0, $0xb8;
	[tilespmem:$0xC200] =	vst v63  }
0x44: {  	v3 =	vld [tilespmem:$0x100];
	_ =	sdelay $0x4  }
0x45: {  	v62 =	vshrl.u32 v3, $0x3  }
0x46: {  	v4 =	vmul.u32 $0x30, v62  }
0x47: {  	v3 =	vand.u32 $0x7, v3  }
0x48: {  	v3 =	vor.u32 v3, v4  }
0x49: {  	v4 =	vperm.xlane v3, v0;
	_ =	sdelay $0x1  }
0x4a: {  	v4 =	vadd.s32 v1, v4;
	_ =	sdelay $0x3  }
0x4b: {  	v3 =	vperm.xlane v3, v2  }
0x4c: {  	[tilespmem:s15], [sflag:$0x3] =	stream.indirect_vreg.gather [hbm4b:s2+s3], $0x80, v4, vm0, $0xb8;
	[tilespmem:$0xC200] =	vst v63  }
0x4d: {  	v3 =	vadd.s32 v1, v3  }
0x4e: {  	[tilespmem:s16], [sflag:$0x3] =	stream.indirect_vreg.gather [hbm4b:s5+s3], $0x80, v4, vm0, $0xb8;
	[tilespmem:$0xC200] =	vst v63  }
0x4f: {  	_ = 	snop  }
0x50: {  	[tilespmem:s17], [sflag:$0x3] =	stream.indirect_vreg.gather [hbm4b:s6+s3], $0x80, v4, vm0, $0xb8;
	[tilespmem:$0xC200] =	vst v63  }
0x51: {  	_ = 	snop  }
0x52: {  	[tilespmem:s18], [sflag:$0x3] =	stream.indirect_vreg.gather [hbm4b:s2+s3], $0x80, v3, vm0, $0xb8;
	[tilespmem:$0xC200] =	vst v63  }
0x53: {  	_ = 	snop  }
0x54: {  	[tilespmem:s19], [sflag:$0x3] =	stream.indirect_vreg.gather [hbm4b:s5+s3], $0x80, v3, vm0, $0xb8;
	[tilespmem:$0xC200] =	vst v63  }
0x55: {  	_ = 	snop  }
0x56: {  	[tilespmem:s20], [sflag:$0x3] =	stream.indirect_vreg.gather [hbm4b:s6+s3], $0x80, v3, vm0, $0xb8;
	[tilespmem:$0xC200] =	vst v63  }
0x57: {  	v3 =	vld [tilespmem:$0x180];
	_ =	sdelay $0x4  }
0x58: {  	v63 =	vshrl.u32 v3, $0x3  }
0x59: {  	v4 =	vmul.u32 $0x30, v63  }
0x5a: {  	v3 =	vand.u32 $0x7, v3  }
0x5b: {  	v3 =	vor.u32 v3, v4  }
0x5c: {  	v4 =	vperm.xlane v3, v0;
	_ =	sdelay $0x1  }
0x5d: {  	v4 =	vadd.s32 v1, v4;
	_ =	sdelay $0x3  }
0x5e: {  	v3 =	vperm.xlane v3, v2  }
0x5f: {  	[tilespmem:s21], [sflag:$0x4] =	stream.indirect_vreg.gather [hbm4b:s2+s3], $0x80, v4, vm0, $0xb8;
	[tilespmem:$0xC200] =	vst v63  }
0x60: {  	v3 =	vadd.s32 v1, v3  }
0x61: {  	[tilespmem:s22], [sflag:$0x4] =	stream.indirect_vreg.gather [hbm4b:s5+s3], $0x80, v4, vm0, $0xb8;
	[tilespmem:$0xC200] =	vst v63  }
0x62: {  	_ = 	snop  }
0x63: {  	[tilespmem:s23], [sflag:$0x4] =	stream.indirect_vreg.gather [hbm4b:s6+s3], $0x80, v4, vm0, $0xb8;
	[tilespmem:$0xC200] =	vst v63  }
0x64: {  	_ = 	snop  }
0x65: {  	[tilespmem:s24], [sflag:$0x4] =	stream.indirect_vreg.gather [hbm4b:s2+s3], $0x80, v3, vm0, $0xb8;
	[tilespmem:$0xC200] =	vst v63  }
0x66: {  	_ = 	snop  }
0x67: {  	[tilespmem:s25], [sflag:$0x4] =	stream.indirect_vreg.gather [hbm4b:s5+s3], $0x80, v3, vm0, $0xb8;
	[tilespmem:$0xC200] =	vst v63  }
0x68: {  	_ = 	snop  }
0x69: {  	[tilespmem:s26], [sflag:$0x4] =	stream.indirect_vreg.gather [hbm4b:s6+s3], $0x80, v3, vm0, $0xb8;
	[tilespmem:$0xC200] =	vst v63  }
0x6a: {  	_ =	swait.ge [sflag:s28], $0x3000  }
0x6b: {  	[sflag:s28] =	ssyncset.done $0x0  }
0x6c: {  	[sflag:s28] =	ssyncadd.s32 $0xFFFFD000  }
0x6d: {  	[hbm4b:s4+s3] =	stream.linear.scatter [tilespmem:s9], [sflag:$0x5], $0x3000, $0x38;
	[tilespmem:$0xC200] =	vst v63  }
0x6e: {  	_ =	swait.ge [sflag:s29], $0x3000  }
0x6f: {  	[sflag:s29] =	ssyncset.done $0x0  }
0x70: {  	s11 =	rddreg [dreg:$0x5];
	[sflag:s29] =	ssyncadd.s32 $0xFFFFD000  }
0x71: {  	[hbm4b:s11+s3] =	stream.linear.scatter [tilespmem:s10], [sflag:$0x5], $0x3000, $0x38;
	[tilespmem:$0xC200] =	vst v63  }
0x72: {  	_ =	swait.ge [sflag:s30], $0x3000  }
0x73: {  	[sflag:s30] =	ssyncset.done $0x0  }
0x74: {  	s11 =	rddreg [dreg:$0x6];
	[sflag:s30] =	ssyncadd.s32 $0xFFFFD000  }
0x75: {  	[hbm4b:s11+s3] =	stream.linear.scatter [tilespmem:s15], [sflag:$0x5], $0x3000, $0x38;
	[tilespmem:$0xC200] =	vst v63  }
0x76: {  	_ =	swait.ge [sflag:s31], $0x3000  }
0x77: {  	[sflag:s31] =	ssyncset.done $0x0  }
0x78: {  	s11 =	rddreg [dreg:$0x7];
	[sflag:s31] =	ssyncadd.s32 $0xFFFFD000  }
0x79: {  	[hbm4b:s11+s3] =	stream.linear.scatter [tilespmem:s21], [sflag:$0x5], $0x3000, $0x38;
	[tilespmem:$0xC200] =	vst v63  }
0x7a: {  	_ =	swait.ge [sflag:s1], $0x3000  }
0x7b: {  	[sflag:s1] =	ssyncset.done $0x0  }
0x7c: {  	[sflag:s1] =	ssyncadd.s32 $0xFFFFD000  }
0x7d: {  	_ =	swait.ge [sflag:s1], $0x3000  }
0x7e: {  	[sflag:s1] =	ssyncset.done $0x0  }
0x7f: {  	[sflag:s1] =	ssyncadd.s32 $0xFFFFD000  }
0x80: {  	p0 =	sne.s32 s7, $0x1;
	_ =	swait.ge [sflag:s1], $0x3000  }
.Ltmp0:
0x81: {  	[sflag:s1] =	ssyncset.done $0x0;
	(pc) =	sbr.rel @p0 .LBB2_1-.Ltmp0, $4  }
0x82: {  	[sflag:s1] =	ssyncadd.s32 $0xFFFFD000  }
0x83: {  	_ =	swait.ge [sflag:s1], $0x3000  }
0x84: {  	[sflag:s1] =	ssyncset.done $0x0  }
0x85: {  	s7 =	sadd.s32 $0xFFFFFFFF, s7;
	[sflag:s1] =	ssyncadd.s32 $0xFFFFD000  }
0x86: {  	_ =	sfence.sel $0x180000  }
0x87: {  	[bflag:$0x0] =	sbarrier.arrive $0xFFFF  }
0x88: {  	_ =	strace $0x90000047  }
0x89: {  	s0 =	stileid.u32;
	[bflag:$0x2] =	sbarrier.arrive $0xFFFF  }
0x8a: {  	p0 =	sne.s32 s0, $0x0;
	s0 =	rddreg [dreg:$0x3]  }
0x8b: {  	s0 =	sadd.s32 @!p0 $0x100000, s0  }
0x8c: {  	[sflag:s0] =	ssyncadd.tile.s32 @!p0 $0x1;
	_ =	shalt  }
.Lfunc_end2:
_tile_overlayer_lowered:
.L_overlay_start_2:
0x8d: {  	(tag) =	ssettag $0x2  }
0x8e: {  	s0 =	rddreg [dreg:$0x0];
	s2 =	stileid.u32  }
0x8f: {  	s1 =	rddreg [dreg:$0x1];
	p0 =	sne.s32 s2, $0x0  }
0x90: {  	s3 =	rddreg [dreg:$0x2];
	[bflag:$0x3] =	sbarrier.arrive $0xFFFF;
	s2 =	simm.s32 @!p0 $0x1C06  }
0x91: {  	[timem:s3], [sflag:s2] =	dma.local @!p0 [hbm:s0], s1  }
0x92: {  	s0 =	simm.s32 @!p0 $0x6  }
0x93: {  	_ =	swait.ge @!p0 [sflag:s0], s1  }
0x94: {  	s1 =	ssub.s32 @!p0 $0x0, s1;
	[sflag:s0] =	ssyncset.done @!p0 $0x0  }
0x95: {  	[sflag:s0] =	ssyncadd.s32 @!p0 s1  }
0x96: {  	[bflag:$0x3] =	sbarrier.arrive $0xFFFF  }
0x97: {  	_ =	shalt  }

</sc_bundles>
